<compile_context>
chip_gen: v7x
topology: tpu7x:2x2x1
jax: 0.10.2.dev20260603
libtpu: 0.0.44.dev20260713+nightly
codegen_flags: <defaults>
</compile_context>

<pallas_src>
import functools

import jax
import jax.numpy as jnp
from jax import lax
from jax.experimental import pallas as pl
from jax.experimental.pallas import tpu as pltpu
from jax.experimental.pallas import tpu_sc as plsc

VOCAB = 100000
DIM = 300
DIM_PAD = 384
B_TOTAL = 1024 * 200

_INFO = plsc.get_sparse_core_info()
_NC = _INFO.num_cores
_NS = _INFO.num_subcores
_NW = _NC * _NS
_B_PER_W = B_TOTAL // _NW
_CHUNK = 128
_NCHUNK = _B_PER_W // _CHUNK
_NPAIR = _NCHUNK // 2


def _sc_gather(idx3d, table_p):
    mesh = plsc.VectorSubcoreMesh(core_axis_name="c", subcore_axis_name="s")

    @functools.partial(
        pl.kernel,
        mesh=mesh,
        out_type=jax.ShapeDtypeStruct((B_TOTAL, DIM_PAD), jnp.float32),
        scratch_types=[
            pltpu.VMEM((_NCHUNK, 1, 128), jnp.int32),
            pltpu.VMEM((_CHUNK, DIM_PAD), jnp.float32),
            pltpu.VMEM((_CHUNK, DIM_PAD), jnp.float32),
            pltpu.SemaphoreType.DMA,
            pltpu.SemaphoreType.DMA,
        ],
    )
    def k(idx_hbm, table_hbm, out_hbm, idx_v, rows_a, rows_b, sem_a, sem_b):
        wid = lax.axis_index("s") * _NC + lax.axis_index("c")
        base = wid * _B_PER_W
        pltpu.sync_copy(idx_hbm.at[pl.ds(wid * _NCHUNK, _NCHUNK)], idx_v)

        def gather(c, buf, sem):
            return pltpu.async_copy(table_hbm.at[idx_v.at[c, 0]], buf, sem)

        def write(c, buf):
            off = pl.multiple_of(c * _CHUNK, 8)
            pltpu.sync_copy(buf, out_hbm.at[pl.ds(base + off, _CHUNK)])

        gather(0, rows_a, sem_a)

        def body(p, carry):
            c0 = p * 2
            gather(c0 + 1, rows_b, sem_b)
            pltpu.make_async_copy(
                table_hbm.at[idx_v.at[c0, 0]], rows_a, sem_a
            ).wait()
            write(c0, rows_a)

            @pl.when(p < _NPAIR - 1)
            def _():
                gather(c0 + 2, rows_a, sem_a)

            pltpu.make_async_copy(
                table_hbm.at[idx_v.at[c0 + 1, 0]], rows_b, sem_b
            ).wait()
            write(c0 + 1, rows_b)
            return carry

        lax.fori_loop(0, _NPAIR, body, 0)

    return k(idx3d, table_p)


def kernel(x, table):
    idx3d = jnp.reshape(x, (_NW * _NCHUNK, 1, 128)).astype(jnp.int32)
    table_p = jnp.pad(table, ((0, 0), (0, DIM_PAD - DIM)))
    out_p = _sc_gather(idx3d, table_p)
    out = jnp.reshape(out_p, (B_TOTAL, DIM_PAD))[:, :DIM]
    return jnp.reshape(out, (x.shape[0], x.shape[1], DIM))

# --- scband reference (transcript-rebuilt; emitter-appended) ---
"""Pipeline reference for scband-word2-vec-embedding-38989713113408 (READ-ONLY COPY).

The authoritative reference and input builder live on the scoring server;
editing this copy changes nothing except your own understanding.
"""

import jax, jax.numpy as jnp
import numpy as np

VOCAB = 100000
DIM = 300

def setup_inputs(seed: int = 0) -> dict:
    key = jax.random.key(seed)
    k_idx, k_tab = jax.random.split(key)
    x = jax.random.randint(k_idx, (1024, 200), 0, VOCAB, dtype=jnp.int64) if jax.config.jax_enable_x64 else jax.random.randint(k_idx, (1024, 200), 0, VOCAB, dtype=jnp.int32)
    table = jax.random.normal(k_tab, (VOCAB, DIM), dtype=jnp.float32)
    return {"x": x, "table": table}

def reference(x, table):
    # Faithful translation of nn.Embedding.forward: row gather from the
    # (pretrained-word2vec-initialized) embedding matrix.
    return jnp.take(table, x, axis=0)

if __name__ == "__main__":
    import jax
    _d = setup_inputs()
    print(jax.jit(kernel)(*tuple(_d.values())))

</pallas_src>

<mosaic_0001>
#map = affine_map<(d0, d1) -> (0, 0, 0)>
#map1 = affine_map<(d0, d1) -> (0, 0)>
module attributes {stable_mosaic.version = 14 : i64} {
  func.func @k(%arg0: i32, %arg1: i32, %arg2: memref<1600x1x128xi32, #tpu.memory_space<hbm>>, %arg3: memref<100000x384xf32, #tpu.memory_space<hbm>>, %arg4: memref<204800x384xf32, #tpu.memory_space<hbm>>, %arg5: memref<50x1x128xi32, #tpu.memory_space<vmem>>, %arg6: memref<128x384xf32, #tpu.memory_space<vmem>>, %arg7: memref<128x384xf32, #tpu.memory_space<vmem>>, %arg8: memref<!tpu.dma_semaphore, #tpu.memory_space<semaphore_mem>>, %arg9: memref<!tpu.dma_semaphore, #tpu.memory_space<semaphore_mem>>) attributes {dimension_semantics = [#tpu.dimension_semantics<core_parallel>, #tpu.dimension_semantics<subcore_parallel>], iteration_bounds = array<i64: 2, 16>, scalar_prefetch = 0 : i64, scratch_operands = 5 : i64, tpu.core_type = #tpu.core_type<sc_vector_subcore>, window_params = [{transform_indices = #map}, {transform_indices = #map1}, {transform_indices = #map1}]} {
    %mul3A = arith.constant 2 : i32
    %mul3A_0 = arith.muli %arg1, %mul3A : i32
    %add3A = arith.addi %mul3A_0, %arg0 : i32
    %mul3A_1 = arith.constant 6400 : i32
    %mul3A_2 = arith.muli %add3A, %mul3A_1 : i32
    %mul3A_3 = arith.constant 50 : i32
    %mul3A_4 = arith.muli %add3A, %mul3A_3 : i32
    "tpu.region"() ({
      %run_scoped3A = tpu.sem_alloc : memref<!tpu.dma_semaphore, #tpu.memory_space<semaphore_mem>>
      %dma_start3A_17 = arith.constant 0 : i32
      %dma_start3A_18 = arith.constant 0 : i32
      %dma_start3A_19 = tpu.memref_slice %arg2[%mul3A_4, %dma_start3A_17, %dma_start3A_18] : memref<1600x1x128xi32, #tpu.memory_space<hbm>> -> memref<50x1x128xi32, #tpu.memory_space<hbm>>
      %dma_start3A_20 = arith.constant 0 : i32
      %dma_start3A_21 = arith.constant 0 : i32
      %dma_start3A_22 = tpu.memref_slice %arg2[%mul3A_4, %dma_start3A_20, %dma_start3A_21] : memref<1600x1x128xi32, #tpu.memory_space<hbm>> -> memref<50x1x128xi32, #tpu.memory_space<hbm>>
      tpu.enqueue_dma source(%dma_start3A_22 : memref<50x1x128xi32, #tpu.memory_space<hbm>>) target(%arg5 : memref<50x1x128xi32, #tpu.memory_space<vmem>>) target_semaphore(%run_scoped3A : memref<!tpu.dma_semaphore, #tpu.memory_space<semaphore_mem>>)
      %dma_wait3A = arith.constant 0 : i32
      %dma_wait3A_23 = arith.constant 0 : i32
      %dma_wait3A_24 = tpu.memref_slice %arg2[%mul3A_4, %dma_wait3A, %dma_wait3A_23] : memref<1600x1x128xi32, #tpu.memory_space<hbm>> -> memref<50x1x128xi32, #tpu.memory_space<hbm>>
      %dma_wait3A_25 = arith.constant 0 : i32
      %dma_wait3A_26 = arith.constant 0 : i32
      %dma_wait3A_27 = tpu.memref_slice %arg2[%mul3A_4, %dma_wait3A_25, %dma_wait3A_26] : memref<1600x1x128xi32, #tpu.memory_space<hbm>> -> memref<50x1x128xi32, #tpu.memory_space<hbm>>
      tpu.wait_dma2 semaphore(%run_scoped3A : memref<!tpu.dma_semaphore, #tpu.memory_space<semaphore_mem>>) src(%dma_wait3A_27 : memref<50x1x128xi32, #tpu.memory_space<hbm>>) dst(%arg5 : memref<50x1x128xi32, #tpu.memory_space<vmem>>)
      tpu.yield
    }) : () -> ()
    %dma_start3A = arith.constant 0 : i32
    %dma_start3A_5 = arith.constant 0 : i32
    %dma_start3A_6 = arith.constant 0 : i32
    %dma_start3A_7 = tpu.memref_slice %arg5[%dma_start3A, %dma_start3A_5, %dma_start3A_6] : memref<50x1x128xi32, #tpu.memory_space<vmem>> -> memref<1x1x128xi32, #tpu.memory_space<vmem>>
    %dma_start3A_8 = tpu.memref_squeeze %dma_start3A_7 : memref<1x1x128xi32, #tpu.memory_space<vmem>> -> memref<128xi32, #tpu.memory_space<vmem>>
    %dma_start3A_9 = arith.constant 0 : i32
    %dma_start3A_10 = arith.constant 0 : i32
    %dma_start3A_11 = tpu.memref_slice %arg3[%dma_start3A_9, %dma_start3A_10] : memref<100000x384xf32, #tpu.memory_space<hbm>> -> memref<100000x384xf32, #tpu.memory_space<hbm>>
    tpu.enqueue_indirect_dma source(%dma_start3A_11 : memref<100000x384xf32, #tpu.memory_space<hbm>>) target(%arg6 : memref<128x384xf32, #tpu.memory_space<vmem>>) offsets(%dma_start3A_8 : memref<128xi32, #tpu.memory_space<vmem>>) semaphore(%arg8 : memref<!tpu.dma_semaphore, #tpu.memory_space<semaphore_mem>>)
    %scan3A = arith.constant 0 : i32
    %scan3A_12 = arith.constant 0 : i32
    %scan3A_13 = arith.constant 25 : i32
    %scan3A_14 = arith.addi %scan3A_12, %scan3A_13 : i32
    %scan3A_15 = arith.constant 1 : i32
    scf.for %scan3A_17 = %scan3A_12 to %scan3A_14 step %scan3A_15  : i32 {
      %mul3A_18 = arith.constant 2 : i32
      %mul3A_19 = arith.muli %scan3A_17, %mul3A_18 : i32
      %add3A_20 = arith.constant 1 : i32
      %add3A_21 = arith.addi %mul3A_19, %add3A_20 : i32
      %dma_start3A_22 = arith.constant 0 : i32
      %dma_start3A_23 = arith.constant 0 : i32
      %dma_start3A_24 = tpu.memref_slice %arg5[%add3A_21, %dma_start3A_22, %dma_start3A_23] : memref<50x1x128xi32, #tpu.memory_space<vmem>> -> memref<1x1x128xi32, #tpu.memory_space<vmem>>
      %dma_start3A_25 = tpu.memref_squeeze %dma_start3A_24 : memref<1x1x128xi32, #tpu.memory_space<vmem>> -> memref<128xi32, #tpu.memory_space<vmem>>
      %dma_start3A_26 = arith.constant 0 : i32
      %dma_start3A_27 = arith.constant 0 : i32
      %dma_start3A_28 = tpu.memref_slice %arg3[%dma_start3A_26, %dma_start3A_27] : memref<100000x384xf32, #tpu.memory_space<hbm>> -> memref<100000x384xf32, #tpu.memory_space<hbm>>
      tpu.enqueue_indirect_dma source(%dma_start3A_28 : memref<100000x384xf32, #tpu.memory_space<hbm>>) target(%arg7 : memref<128x384xf32, #tpu.memory_space<vmem>>) offsets(%dma_start3A_25 : memref<128xi32, #tpu.memory_space<vmem>>) semaphore(%arg9 : memref<!tpu.dma_semaphore, #tpu.memory_space<semaphore_mem>>)
      %dma_wait3A = arith.constant 0 : i32
      %dma_wait3A_29 = arith.constant 0 : i32
      %dma_wait3A_30 = tpu.memref_slice %arg5[%mul3A_19, %dma_wait3A, %dma_wait3A_29] : memref<50x1x128xi32, #tpu.memory_space<vmem>> -> memref<1x1x128xi32, #tpu.memory_space<vmem>>
      %dma_wait3A_31 = tpu.memref_squeeze %dma_wait3A_30 : memref<1x1x128xi32, #tpu.memory_space<vmem>> -> memref<128xi32, #tpu.memory_space<vmem>>
      %dma_wait3A_32 = arith.constant 0 : i32
      %dma_wait3A_33 = arith.constant 0 : i32
      %dma_wait3A_34 = tpu.memref_slice %arg3[%dma_wait3A_32, %dma_wait3A_33] : memref<100000x384xf32, #tpu.memory_space<hbm>> -> memref<100000x384xf32, #tpu.memory_space<hbm>>
      tpu.wait_indirect_dma semaphore(%arg8 : memref<!tpu.dma_semaphore, #tpu.memory_space<semaphore_mem>>) src(%dma_wait3A_34 : memref<100000x384xf32, #tpu.memory_space<hbm>>) dst(%arg6 : memref<128x384xf32, #tpu.memory_space<vmem>>)
      %mul3A_35 = arith.constant 128 : i32
      %mul3A_36 = arith.muli %mul3A_19, %mul3A_35 : i32
      %multiple_of3A = tpu.assume_multiple %mul3A_36, 8 : i32
      %add3A_37 = arith.addi %mul3A_2, %multiple_of3A : i32
      "tpu.region"() ({
        %run_scoped3A = tpu.sem_alloc : memref<!tpu.dma_semaphore, #tpu.memory_space<semaphore_mem>>
        %dma_start3A_55 = arith.constant 0 : i32
        %dma_start3A_56 = tpu.memref_slice %arg4[%add3A_37, %dma_start3A_55] : memref<204800x384xf32, #tpu.memory_space<hbm>> -> memref<128x384xf32, #tpu.memory_space<hbm>>
        %dma_start3A_57 = arith.constant 0 : i32
        %dma_start3A_58 = tpu.memref_slice %arg4[%add3A_37, %dma_start3A_57] : memref<204800x384xf32, #tpu.memory_space<hbm>> -> memref<128x384xf32, #tpu.memory_space<hbm>>
        tpu.enqueue_dma source(%arg6 : memref<128x384xf32, #tpu.memory_space<vmem>>) target(%dma_start3A_58 : memref<128x384xf32, #tpu.memory_space<hbm>>) target_semaphore(%run_scoped3A : memref<!tpu.dma_semaphore, #tpu.memory_space<semaphore_mem>>)
        %dma_wait3A_59 = arith.constant 0 : i32
        %dma_wait3A_60 = tpu.memref_slice %arg4[%add3A_37, %dma_wait3A_59] : memref<204800x384xf32, #tpu.memory_space<hbm>> -> memref<128x384xf32, #tpu.memory_space<hbm>>
        %dma_wait3A_61 = arith.constant 0 : i32
        %dma_wait3A_62 = tpu.memref_slice %arg4[%add3A_37, %dma_wait3A_61] : memref<204800x384xf32, #tpu.memory_space<hbm>> -> memref<128x384xf32, #tpu.memory_space<hbm>>
        tpu.wait_dma2 semaphore(%run_scoped3A : memref<!tpu.dma_semaphore, #tpu.memory_space<semaphore_mem>>) src(%arg6 : memref<128x384xf32, #tpu.memory_space<vmem>>) dst(%dma_wait3A_62 : memref<128x384xf32, #tpu.memory_space<hbm>>)
        tpu.yield
      }) : () -> ()
      %lt3A = arith.constant 24 : i32
      %lt3A_38 = arith.cmpi slt, %scan3A_17, %lt3A : i32
      %convert_element_type3A = arith.extui %lt3A_38 : i1 to i32
      %cond3A = arith.constant 0 : i32
      %cond3A_39 = arith.cmpi ne, %convert_element_type3A, %cond3A : i32
      scf.if %cond3A_39 {
        %add3A_55 = arith.constant 2 : i32
        %add3A_56 = arith.addi %mul3A_19, %add3A_55 : i32
        %dma_start3A_57 = arith.constant 0 : i32
        %dma_start3A_58 = arith.constant 0 : i32
        %dma_start3A_59 = tpu.memref_slice %arg5[%add3A_56, %dma_start3A_57, %dma_start3A_58] : memref<50x1x128xi32, #tpu.memory_space<vmem>> -> memref<1x1x128xi32, #tpu.memory_space<vmem>>
        %dma_start3A_60 = tpu.memref_squeeze %dma_start3A_59 : memref<1x1x128xi32, #tpu.memory_space<vmem>> -> memref<128xi32, #tpu.memory_space<vmem>>
        %dma_start3A_61 = arith.constant 0 : i32
        %dma_start3A_62 = arith.constant 0 : i32
        %dma_start3A_63 = tpu.memref_slice %arg3[%dma_start3A_61, %dma_start3A_62] : memref<100000x384xf32, #tpu.memory_space<hbm>> -> memref<100000x384xf32, #tpu.memory_space<hbm>>
        tpu.enqueue_indirect_dma source(%dma_start3A_63 : memref<100000x384xf32, #tpu.memory_space<hbm>>) target(%arg6 : memref<128x384xf32, #tpu.memory_space<vmem>>) offsets(%dma_start3A_60 : memref<128xi32, #tpu.memory_space<vmem>>) semaphore(%arg8 : memref<!tpu.dma_semaphore, #tpu.memory_space<semaphore_mem>>)
      } else {
      }
      %add3A_40 = arith.constant 1 : i32
      %add3A_41 = arith.addi %mul3A_19, %add3A_40 : i32
      %dma_wait3A_42 = arith.constant 0 : i32
      %dma_wait3A_43 = arith.constant 0 : i32
      %dma_wait3A_44 = tpu.memref_slice %arg5[%add3A_41, %dma_wait3A_42, %dma_wait3A_43] : memref<50x1x128xi32, #tpu.memory_space<vmem>> -> memref<1x1x128xi32, #tpu.memory_space<vmem>>
      %dma_wait3A_45 = tpu.memref_squeeze %dma_wait3A_44 : memref<1x1x128xi32, #tpu.memory_space<vmem>> -> memref<128xi32, #tpu.memory_space<vmem>>
      %dma_wait3A_46 = arith.constant 0 : i32
      %dma_wait3A_47 = arith.constant 0 : i32
      %dma_wait3A_48 = tpu.memref_slice %arg3[%dma_wait3A_46, %dma_wait3A_47] : memref<100000x384xf32, #tpu.memory_space<hbm>> -> memref<100000x384xf32, #tpu.memory_space<hbm>>
      tpu.wait_indirect_dma semaphore(%arg9 : memref<!tpu.dma_semaphore, #tpu.memory_space<semaphore_mem>>) src(%dma_wait3A_48 : memref<100000x384xf32, #tpu.memory_space<hbm>>) dst(%arg7 : memref<128x384xf32, #tpu.memory_space<vmem>>)
      %add3A_49 = arith.constant 1 : i32
      %add3A_50 = arith.addi %mul3A_19, %add3A_49 : i32
      %mul3A_51 = arith.constant 128 : i32
      %mul3A_52 = arith.muli %add3A_50, %mul3A_51 : i32
      %multiple_of3A_53 = tpu.assume_multiple %mul3A_52, 8 : i32
      %add3A_54 = arith.addi %mul3A_2, %multiple_of3A_53 : i32
      "tpu.region"() ({
        %run_scoped3A = tpu.sem_alloc : memref<!tpu.dma_semaphore, #tpu.memory_space<semaphore_mem>>
        %dma_start3A_55 = arith.constant 0 : i32
        %dma_start3A_56 = tpu.memref_slice %arg4[%add3A_54, %dma_start3A_55] : memref<204800x384xf32, #tpu.memory_space<hbm>> -> memref<128x384xf32, #tpu.memory_space<hbm>>
        %dma_start3A_57 = arith.constant 0 : i32
        %dma_start3A_58 = tpu.memref_slice %arg4[%add3A_54, %dma_start3A_57] : memref<204800x384xf32, #tpu.memory_space<hbm>> -> memref<128x384xf32, #tpu.memory_space<hbm>>
        tpu.enqueue_dma source(%arg7 : memref<128x384xf32, #tpu.memory_space<vmem>>) target(%dma_start3A_58 : memref<128x384xf32, #tpu.memory_space<hbm>>) target_semaphore(%run_scoped3A : memref<!tpu.dma_semaphore, #tpu.memory_space<semaphore_mem>>)
        %dma_wait3A_59 = arith.constant 0 : i32
        %dma_wait3A_60 = tpu.memref_slice %arg4[%add3A_54, %dma_wait3A_59] : memref<204800x384xf32, #tpu.memory_space<hbm>> -> memref<128x384xf32, #tpu.memory_space<hbm>>
        %dma_wait3A_61 = arith.constant 0 : i32
        %dma_wait3A_62 = tpu.memref_slice %arg4[%add3A_54, %dma_wait3A_61] : memref<204800x384xf32, #tpu.memory_space<hbm>> -> memref<128x384xf32, #tpu.memory_space<hbm>>
        tpu.wait_dma2 semaphore(%run_scoped3A : memref<!tpu.dma_semaphore, #tpu.memory_space<semaphore_mem>>) src(%arg7 : memref<128x384xf32, #tpu.memory_space<vmem>>) dst(%dma_wait3A_62 : memref<128x384xf32, #tpu.memory_space<hbm>>)
        tpu.yield
      }) : () -> ()
    }
    %scan3A_16 = arith.constant 25 : i32
    return
  }
}

</mosaic_0001>

<sc_bundles>
// kernel: kernel.3.cloned.1.call-start
scs
__scs_entry_jumppad:
0x0: {  	(pc) =	sbr.rel $0x88, $3  }
0x1: {  	(tag) =	ssettag $0x0;
	lr =	simm.s32 $0x1  }
0x2: {  	[smem:$0x3F9F] =	sst lr;
	_ =	strace $0xD0000000  }
0x3: {  	_ = 	snop  }
0x4: {  	_ = 	snop  }
0x5: {  	_ = 	snop  }
0x6: {  	_ = 	snop  }
0x7: {  	_ = 	snop  }
__scs_overlays_trampoline_lowered:
0x8: {  	[smem:$0x3FAE] =	sst s0  }
0x9: {  	[smem:$0x3FAF] =	sst s1  }
0xa: {  	[smem:$0x3FB0] =	sst s2  }
0xb: {  	[smem:$0x3FB1] =	sst s3  }
0xc: {  	[smem:$0x3FB2] =	sst s4  }
0xd: {  	[smem:$0x3FB3] =	sst s5  }
0xe: {  	[smem:$0x3FB4] =	sst s6  }
0xf: {  	[smem:$0x3FB5] =	sst s7  }
0x10: {  	[smem:$0x3FB6] =	sst s8  }
0x11: {  	[smem:$0x3FB7] =	sst s9;
	s0 =	simm.s32 @!p0 $0x0  }
0x12: {  	s1 =	sld [smem:$0x3F9D];
	s0 =	simm.s32 @p0 $0x1  }
0x13: {  	[smem:$0x3FB8] =	sst s0;
	s0 =	simm.s32 @!p1 $0x0  }
0x14: {  	s2 =	sld [smem:$0x3F9C];
	s0 =	simm.s32 @p1 $0x1  }
0x15: {  	[smem:$0x3FB9] =	sst s0;
	s0 =	simm.s32 @!p2 $0x0  }
0x16: {  	s3 =	sld [smem:$0x3FDB];
	s0 =	simm.s32 @p2 $0x1  }
0x17: {  	s4 =	simm.s32 $0x1BF5;
	[smem:$0x3FBB] =	sst s0  }
0x18: {  	s0 =	sld [smem:$0x3F9E];
	_ =	swait.ge [sflag:s4], $0x0  }
0x19: {  	s7 =	sld [smem:$0x3F9F]  }
0x1a: {  	s8 =	sadd.s32 $0xFFFFE003, lr  }
0x1b: {  	s9 =	sadd.s32 $0xFFFFFEF7, lr;
	s5 =	simm.s32 $0xFFFFFFFF;
	p2 =	slt.u32 s8, $0xFFFFF086  }
0x1c: {  	p1 =	slt.u32 s9, $0xF7A;
	s5 =	simm.s32 @!p2 $0x0  }
0x1d: {  	s5 =	simm.s32 @p1 $0x1;
	p0 =	seq.s32 s7, s2  }
0x1e: {  	s7 =	smul.u32 @!p0 $0xF7A, s2;
	p2 =	seq.s32 @!p0 s5, $0x0  }
0x1f: {  	s9 =	smul.u32 $0xF7A, s1;
	s8 =	simm.s32 @!p0 $0x1BF5;
	p2 =	por !p2, p0  }
0x20: {  	[sflag:s8] =	ssyncset.s32 @!p0 $0xFFFFF086;
	s6 =	sadd.s32 @!p0 s3, s7;
	s7 =	simm.s32 @!p0 $0x108  }
0x21: {  	s3 =	sadd.s32 s3, s9;
	s6 =	sadd.s32 @!p0 $0x88, s6;
	s7 =	simm.s32 @p2 $0x1082  }
0x22: {  	[simem:s7], [sflag:s8] =	dma.local @!p0 [hbm:s6], $0xF7A  }
0x23: {  	s9 =	sor.u32 $0xD0000000, s2;
	s6 =	simm.s32 $0x108;
	_ =	swait.ge @!p0 [sflag:s8], $0x0  }
0x24: {  	s3 =	sadd.s32 $0x88, s3;
	s6 =	simm.s32 @!p1 $0x1082;
	[sflag:s4] =	ssyncset.s32 $0xFFFFF086  }
0x25: {  	[simem:s6], [sflag:s4] =	dma.local [hbm:s3], $0xF7A  }
0x26: {  	[smem:$0x3F9F] =	sst s1;
	(tag) =	ssettag s2;
	_ =	strace s9  }
0x27: {  	s1 =	sld [smem:$0x3FAF]  }
0x28: {  	s2 =	sld [smem:$0x3FB0]  }
0x29: {  	s4 =	sld [smem:$0x3FB2]  }
0x2a: {  	p0 =	seq.s32 s5, $0x0;
	s5 =	sld [smem:$0x3FB3]  }
0x2b: {  	s6 =	sld [smem:$0x3FB4]  }
0x2c: {  	s7 =	sld [smem:$0x3FB5]  }
0x2d: {  	s3 =	simm.s32 $0x108;
	s8 =	sld [smem:$0x3FB6]  }
0x2e: {  	s3 =	simm.s32 @!p0 $0x1082;
	s9 =	sld [smem:$0x3FB7]  }
0x2f: {  	lr =	sadd.s32 s0, s3;
	s0 =	sld [smem:$0x3FAE]  }
0x30: {  	s3 =	sld [smem:$0x3FB1]  }
0x31: {  	[smem:$0x3FBA] =	sst s10  }
0x32: {  	s10 =	sld [smem:$0x3FB8];
	_ =	sdelay $0x3  }
0x33: {  	p0 =	seq.s32 s10, $0x1;
	s10 =	sld [smem:$0x3FBA];
	_ =	sdelay $0x3  }
0x34: {  	[smem:$0x3FBA] =	sst s10  }
0x35: {  	s10 =	sld [smem:$0x3FB9];
	_ =	sdelay $0x3  }
0x36: {  	p1 =	seq.s32 s10, $0x1;
	s10 =	sld [smem:$0x3FBA];
	_ =	sdelay $0x3  }
0x37: {  	[smem:$0x3FBA] =	sst s10  }
0x38: {  	s10 =	sld [smem:$0x3FBB]  }
0x39: {  	_ = 	snop;
	(pc) =	sbr.ind lr, $3  }
0x3a: {  	_ = 	snop  }
0x3b: {  	_ = 	snop  }
0x3c: {  	p2 =	seq.s32 s10, $0x1;
	s10 =	sld [smem:$0x3FBA]  }
0x3d: {  	_ =	shalt  }
0x3e: {  	_ =	shalt  }
0x3f: {  	_ =	shalt  }
0x40: {  	_ =	shalt  }
0x41: {  	_ =	shalt  }
0x42: {  	_ =	shalt  }
0x43: {  	_ =	shalt  }
0x44: {  	_ =	shalt  }
0x45: {  	_ =	shalt  }
0x46: {  	_ =	shalt  }
0x47: {  	_ =	shalt  }
0x48: {  	_ =	shalt  }
0x49: {  	_ =	shalt  }
0x4a: {  	_ =	shalt  }
0x4b: {  	_ =	shalt  }
0x4c: {  	_ =	shalt  }
0x4d: {  	_ =	shalt  }
0x4e: {  	_ =	shalt  }
0x4f: {  	_ =	shalt  }
0x50: {  	_ =	shalt  }
0x51: {  	_ =	shalt  }
0x52: {  	_ =	shalt  }
0x53: {  	_ =	shalt  }
0x54: {  	_ =	shalt  }
0x55: {  	_ =	shalt  }
0x56: {  	_ =	shalt  }
0x57: {  	_ =	shalt  }
0x58: {  	_ =	shalt  }
0x59: {  	_ =	shalt  }
0x5a: {  	_ =	shalt  }
0x5b: {  	_ =	shalt  }
0x5c: {  	_ =	shalt  }
0x5d: {  	_ =	shalt  }
0x5e: {  	_ =	shalt  }
0x5f: {  	_ =	shalt  }
0x60: {  	_ =	shalt  }
0x61: {  	_ =	shalt  }
0x62: {  	_ =	shalt  }
0x63: {  	_ =	shalt  }
0x64: {  	_ =	shalt  }
0x65: {  	_ =	shalt  }
0x66: {  	_ =	shalt  }
0x67: {  	_ =	shalt  }
0x68: {  	_ =	shalt  }
0x69: {  	_ =	shalt  }
0x6a: {  	_ =	shalt  }
0x6b: {  	_ =	shalt  }
0x6c: {  	_ =	shalt  }
0x6d: {  	_ =	shalt  }
0x6e: {  	_ =	shalt  }
0x6f: {  	_ =	shalt  }
0x70: {  	_ =	shalt  }
0x71: {  	_ =	shalt  }
0x72: {  	_ =	shalt  }
0x73: {  	_ =	shalt  }
0x74: {  	_ =	shalt  }
0x75: {  	_ =	shalt  }
0x76: {  	_ =	shalt  }
0x77: {  	_ =	shalt  }
0x78: {  	_ =	shalt  }
0x79: {  	_ =	shalt  }
0x7a: {  	_ =	shalt  }
0x7b: {  	_ =	shalt  }
0x7c: {  	_ =	shalt  }
0x7d: {  	_ =	shalt  }
0x7e: {  	_ =	shalt  }
0x7f: {  	_ =	shalt  }
0x80: {  	_ =	shalt  }
0x81: {  	_ =	shalt  }
0x82: {  	_ =	shalt  }
0x83: {  	_ =	shalt  }
0x84: {  	_ =	shalt  }
0x85: {  	_ =	shalt  }
0x86: {  	_ =	shalt  }
0x87: {  	_ =	shalt  }
.Lfunc_end0:
.L_simem_size_0:
called_computation.1_lowered:
.L_overlay_start_0:
0x88: {  	s2 =	sld [smem:$0x3FD9]  }
0x89: {  	s3 =	sld [smem:$0x3FFE];
	_ =	sdelay $0x1  }
0x8a: {  	s1 =	srdreg.scid  }
0x8b: {  	s0 =	sand.u32 $0x1, s1  }
0x8c: {  	s16 =	sshll.u32 s0, $0xA;
	s2 =	sadd.s32 s3, s2  }
0x8d: {  	s2 =	sadd.s32 s2, s16  }
0x8e: {  	[smem:$0x3FC6] =	sst s2  }
0x8f: {  	_ = 	snop  }
0x90: {  	(tm) =	ssettm $0x1  }
0x91: {  	s17 =	sld [smem:$0x3FFB];
	_ =	sdelay $0x3  }
0x92: {  	_ =	strace s17  }
0x93: {  	s2 =	sld [smem:$0x3FFC];
	_ =	sdelay $0x3  }
0x94: {  	_ =	strace s2  }
0x95: {  	s2 =	sld [smem:$0x3FFD];
	_ =	sdelay $0x3  }
0x96: {  	_ =	strace s2  }
0x97: {  	_ =	strace $0x8FFFFFFF  }
0x98: {  	s18 =	sld [smem:$0x3FDB];
	_ =	sdelay $0x1  }
0x99: {  	s19 =	simm.s32 $_scs_section_size  }
0x9a: {  	s4 =	simm.s32 $_size__tile_overlayer_lowered;
	s5 =	simm.s32 $_tile_overlayer_lowered  }
0x9b: {  	s22 =	simm.s32 $0x1BFF;
	s21 =	sshll.u32 s5, $0x1;
	s2 =	sadd.s32 s19, s18  }
0x9c: {  	s6 =	simm.s32 $0x0;
	s20 =	sshll.u32 s4, $0x1;
	s4 =	sadd.s32 s21, s2  }
0x9d: {  	[timem:s6], [sflag:s22] =	dma.local [hbm:s4], s20  }
0x9e: {  	_ =	swait.ge [sflag:s22], s20  }
0x9f: {  	s3 =	ssub.s32 $0x0, s20;
	[sflag:s22] =	ssyncset.done $0x0  }
0xa0: {  	[sflag:s22] =	ssyncadd.s32 s3;
	_ =	sdelay $0x1  }
0xa1: {  	s23 =	simm.s32 $0x1B8B  }
0xa2: {  	_ =	swait.ge [sflag:s23], $0x1  }
0xa3: {  	[sflag:s23] =	ssyncset.done $0x0  }
0xa4: {  	s25 =	simm.s32 $0x1B8E;
	s24 =	sld [smem:$0x3FFE];
	[sflag:s23] =	ssyncadd.s32 $0xFFFFFFFF  }
0xa5: {  	s26 =	simm.s32 $execute0_lowered;
	[smem:$0x3FD2] =	sst s25  }
0xa6: {  	s4 =	sshll.u32 s26, $0x1;
	_ =	strace $0x80000046;
	[dreg:$0x1] =	wrdreg $0xFFFFFFFF  }
0xa7: {  	s28 =	simm.s32 $_size_execute0_lowered;
	s2 =	sadd.s32 s2, s4;
	[dreg:$0x0] =	wrdreg $0x0  }
0xa8: {  	s4 =	sshll.u32 s28, $0x1;
	[dreg:$0x2] =	wrdreg s2  }
0xa9: {  	[dreg:$0x3] =	wrdreg s4  }
0xaa: {  	[dreg:$0x4] =	wrdreg $0xC0  }
0xab: {  	_ =	task [dreg:s6], $0x5FFFF  }
0xac: {  	[dreg:$0x1] =	wrdreg $0xFFFFFFFF  }
0xad: {  	[dreg:$0x0] =	wrdreg $0x60  }
0xae: {  	[dreg:$0x2] =	wrdreg s24  }
0xaf: {  	[dreg:$0x3] =	wrdreg $0x9  }
0xb0: {  	_ =	task.clear_ibuf [dreg:s6], $0x4FFFF;
	_ =	strace $0x90000046  }
0xb1: {  	s29 =	simm.s32 $0x9;
	_ =	strace $0x80000048  }
0xb2: {  	_ =	swait.ge [sflag:s29], $0x1  }
0xb3: {  	[sflag:s29] =	ssyncadd.s32 $0xFFFFFFFF  }
0xb4: {  	_ =	strace $0x90000048  }
0xb5: {  	_ =	sfence  }
0xb6: {  	s30 =	sld [smem:$0x0];
	_ =	sdelay $0x2  }
0xb7: {  	s31 =	sshll.u32 s1, $0xD;
	s1 =	sshrl.u32 s1, $0x2  }
0xb8: {  	s3 =	sand.u32 $0x4000, s31;
	s1 =	sadd.s32 s1, s30  }
0xb9: {  	s0 =	sor.u32 s3, s0;
	s1 =	sshll.u32 s1, $0x11  }
0xba: {  	s0 =	sor.u32 s1, s0  }
0xbb: {  	s0 =	sadd.s32 $0x8F2B, s0  }
0xbc: {  	[sflag:s0] =	ssyncadd.remote.s32 $0x1  }
0xbd: {  	_ =	sfence.sel $0xFFFF  }
0xbe: {  	[dreg:$0x0] =	wrdreg $0xFFFFFFFF;
	(pc) =	sbr.abs _section_cstart, $3  }
0xbf: {  	[dreg:$0x1] =	wrdreg $0xFFFFFFFF  }
0xc0: {  	_ =	task.clear_ibuf [dreg:s6], $0x2FFFF;
	_ =	strace $0x9FFFFFFF  }
0xc1: {  	(tm) =	ssettm $0x7FFFFFFF  }
tec
execute0_lowered:
.L_overlay_start_1:
0x0: {  	(tag) =	ssettag $0x1  }
0x1: {  	s0 =	rddreg [dreg:$0x0];
	s1 =	srdreg.scid  }
0x2: {  	s2 =	stileid.u32;
	s9 =	simm.s32 $0x3;
	s10 =	simm.s32 $0x1900  }
0x3: {  	s18 =	simm.s32 $0xD900;
	s11 =	simm.s32 $0x14100;
	s12 =	simm.s32 $0x14500  }
0x4: {  	s13 =	simm.s32 $0x14D00;
	s14 =	simm.s32 $0x15100;
	s15 =	simm.s32 $0x15900  }
0x5: {  	s16 =	simm.s32 $0x15D00;
	s17 =	simm.s32 $0x16500;
	s19 =	simm.s32 $0x16900  }
0x6: {  	s20 =	simm.s32 $0x17100;
	s21 =	simm.s32 $0x17500;
	s22 =	simm.s32 $0x17D00  }
0x7: {  	s23 =	simm.s32 $0x18100;
	s24 =	simm.s32 $0x18900;
	s25 =	simm.s32 $0x18D00  }
0x8: {  	s28 =	simm.s32 $0x1;
	s29 =	simm.s32 $0x2;
	s30 =	simm.s32 $0x0  }
0x9: {  	s1 =	sand.u32 $0x1, s1;
	s3 =	sshll.u32 s2, $0x1;
	s4 =	smul.u32 $0x3200, s2  }
0xa: {  	s2 =	simm.s32 $0x0;
	s3 =	sor.u32 s1, s3;
	s5 =	smul.u32 $0x1900, s1  }
0xb: {  	[smem:$0x7FF] =	sst s2;
	s1 =	ssub.s32 $0x2, s1;
	s3 =	smul.u32 $0x320, s3  }
0xc: {  	s8 =	sadd.s32 $0x49AA00, s0;
	_ =	strace $0x80000047;
	s7 =	sshrl.u32 s1, $0x1  }
0xd: {  	s4 =	sadd.s32 s5, s4;
	s1 =	ssub.s32 s1, s7;
	s26 =	sadd.s32 s3, s0  }
0xe: {  	s3 =	sadd.s32 $0x6C00, s0;
	s6 =	sor.u32 $0x80, s4;
	s4 =	sshrl.u32 s4, $0x3  }
.Ltmp0:
0xf: {  	s31 =	smax.u32 s1, $0x1;
	s6 =	sshrl.u32 s6, $0x3;
	(pc) =	sbr.rel .LBB2_1-.Ltmp0, $4  }
0x10: {  	s1 =	simm.s32 $0x12D00;
	s5 =	sadd.s32 $0x800, s26;
	s6 =	smul.u32 $0x180, s6  }
0x11: {  	v2 =	vlaneseq.u32;
	s4 =	smul.u32 $0x180, s4;
	[dreg:$0x3] =	wrdreg s31;
	s26 =	simm.s32 $0x19500  }
0x12: {  	vm0 =	vmmov $0xffff;
	vm1 =	vmmov $0xff;
	v1 =	vshrl.u32 v2, $0x3;
	[dreg:$0x2] =	wrdreg s5;
	s5 =	sadd.s32 $0x6D00, s0;
	s7 =	sadd.s32 s6, s8  }
0x13: {  	v0 =	vand.u32 $0x7, v2;
	v2 =	vor.u32 $0x8, v2;
	v1 =	vmul.u32 $0x8, v1;
	s8 =	sadd.s32 s4, s8;
	s4 =	simm.s32 $0x13500;
	s6 =	simm.s32 $0x13900  }
.LBB2_5:
0x14: {  	s30 =	rddreg [dreg:$0x4]  }
0x15: {  	s0 =	rddreg [dreg:$0x3];
	s30 =	sadd.s32 $0x1, s30  }
0x16: {  	p0 =	sne.s32 s30, s0  }
.Ltmp1:
0x17: {  	_ = 	snop;
	(pc) =	sbr.rel @!p0 .LBB2_6-.Ltmp1, $1  }
0x18: {  	_ =	sdelay $0x3  }
.LBB2_1:
0x19: {  	[dreg:$0x4] =	wrdreg s30  }
0x1a: {  	s0 =	rddreg [dreg:$0x2]  }
0x1b: {  	[tilespmem:s2], [sflag:$0x3] =	stream.linear.gather [hbm4b:s0+s2], $0x1900, $0x38;
	[tilespmem:$0x19900] =	vst v63  }
0x1c: {  	_ =	swait.ge [sflag:s9], $0x1900  }
0x1d: {  	[sflag:s9] =	ssyncset.done $0x0  }
0x1e: {  	[sflag:s9] =	ssyncadd.s32 $0xFFFFE700  }
0x1f: {  	v3 =	vld [tilespmem:$0x0];
	_ =	sdelay $0x4  }
0x20: {  	v4 =	vshrl.u32 v3, $0x3  }
0x21: {  	v4 =	vmul.u32 $0x18, v4  }
0x22: {  	v3 =	vand.u32 $0x7, v3  }
0x23: {  	v3 =	vor.u32 v3, v4  }
0x24: {  	v4 =	vperm.xlane v3, v0;
	_ =	sdelay $0x1  }
0x25: {  	v4 =	vadd.s32 v1, v4;
	_ =	sdelay $0x1  }
0x26: {  	v3 =	vperm.xlane v3, v2;
	_ =	sdelay $0x1  }
0x27: {  	v3 =	vadd.s32 v1, v3  }
0x28: {  	[tilespmem:s10], [sflag:$0x1] =	stream.indirect_vreg.gather [hbm4b:s3+s2], $0x80, v4, vm0, $0xb8;
	[tilespmem:$0x19900] =	vst v63  }
0x29: {  	s0 =	simm.s32 $0x2100  }
0x2a: {  	[tilespmem:s0], [sflag:$0x1] =	stream.indirect_vreg.gather [hbm4b:s5+s2], $0x80, v4, vm1, $0xb8;
	[tilespmem:$0x19900] =	vst v63  }
0x2b: {  	s0 =	simm.s32 $0x2500  }
0x2c: {  	[tilespmem:s0], [sflag:$0x1] =	stream.indirect_vreg.gather [hbm4b:s3+s2], $0x80, v3, vm0, $0xb8;
	[tilespmem:$0x19900] =	vst v63  }
0x2d: {  	s0 =	simm.s32 $0x2D00  }
0x2e: {  	[tilespmem:s0], [sflag:$0x1] =	stream.indirect_vreg.gather [hbm4b:s5+s2], $0x80, v3, vm1, $0xb8;
	[tilespmem:$0x19900] =	vst v63  }
0x2f: {  	v3 =	vld [tilespmem:$0x10];
	_ =	sdelay $0x4  }
0x30: {  	v57 =	vshrl.u32 v3, $0x3  }
0x31: {  	v4 =	vmul.u32 $0x18, v57  }
0x32: {  	v3 =	vand.u32 $0x7, v3  }
0x33: {  	v3 =	vor.u32 v3, v4  }
0x34: {  	v4 =	vperm.xlane v3, v0;
	_ =	sdelay $0x1  }
0x35: {  	v4 =	vadd.s32 v1, v4;
	_ =	sdelay $0x1  }
0x36: {  	v3 =	vperm.xlane v3, v2;
	_ =	sdelay $0x1  }
0x37: {  	s0 =	simm.s32 $0x3100;
	v3 =	vadd.s32 v1, v3  }
0x38: {  	[tilespmem:s0], [sflag:$0x1] =	stream.indirect_vreg.gather [hbm4b:s3+s2], $0x80, v4, vm0, $0xb8;
	[tilespmem:$0x19900] =	vst v63  }
0x39: {  	s0 =	simm.s32 $0x3900  }
0x3a: {  	[tilespmem:s0], [sflag:$0x1] =	stream.indirect_vreg.gather [hbm4b:s5+s2], $0x80, v4, vm1, $0xb8;
	[tilespmem:$0x19900] =	vst v63  }
0x3b: {  	s0 =	simm.s32 $0x3D00  }
0x3c: {  	[tilespmem:s0], [sflag:$0x1] =	stream.indirect_vreg.gather [hbm4b:s3+s2], $0x80, v3, vm0, $0xb8;
	[tilespmem:$0x19900] =	vst v63  }
0x3d: {  	s0 =	simm.s32 $0x4500  }
0x3e: {  	[tilespmem:s0], [sflag:$0x1] =	stream.indirect_vreg.gather [hbm4b:s5+s2], $0x80, v3, vm1, $0xb8;
	[tilespmem:$0x19900] =	vst v63  }
0x3f: {  	v3 =	vld [tilespmem:$0x20];
	_ =	sdelay $0x4  }
0x40: {  	v58 =	vshrl.u32 v3, $0x3  }
0x41: {  	v4 =	vmul.u32 $0x18, v58  }
0x42: {  	v3 =	vand.u32 $0x7, v3  }
0x43: {  	v3 =	vor.u32 v3, v4  }
0x44: {  	v4 =	vperm.xlane v3, v0;
	_ =	sdelay $0x1  }
0x45: {  	v4 =	vadd.s32 v1, v4;
	_ =	sdelay $0x1  }
0x46: {  	v3 =	vperm.xlane v3, v2;
	_ =	sdelay $0x1  }
0x47: {  	s0 =	simm.s32 $0x4900;
	v3 =	vadd.s32 v1, v3  }
0x48: {  	[tilespmem:s0], [sflag:$0x1] =	stream.indirect_vreg.gather [hbm4b:s3+s2], $0x80, v4, vm0, $0xb8;
	[tilespmem:$0x19900] =	vst v63  }
0x49: {  	s0 =	simm.s32 $0x5100  }
0x4a: {  	[tilespmem:s0], [sflag:$0x1] =	stream.indirect_vreg.gather [hbm4b:s5+s2], $0x80, v4, vm1, $0xb8;
	[tilespmem:$0x19900] =	vst v63  }
0x4b: {  	s0 =	simm.s32 $0x5500  }
0x4c: {  	[tilespmem:s0], [sflag:$0x1] =	stream.indirect_vreg.gather [hbm4b:s3+s2], $0x80, v3, vm0, $0xb8;
	[tilespmem:$0x19900] =	vst v63  }
0x4d: {  	s0 =	simm.s32 $0x5D00  }
0x4e: {  	[tilespmem:s0], [sflag:$0x1] =	stream.indirect_vreg.gather [hbm4b:s5+s2], $0x80, v3, vm1, $0xb8;
	[tilespmem:$0x19900] =	vst v63  }
0x4f: {  	v3 =	vld [tilespmem:$0x30];
	_ =	sdelay $0x4  }
0x50: {  	v59 =	vshrl.u32 v3, $0x3  }
0x51: {  	v4 =	vmul.u32 $0x18, v59  }
0x52: {  	v3 =	vand.u32 $0x7, v3  }
0x53: {  	v3 =	vor.u32 v3, v4  }
0x54: {  	v4 =	vperm.xlane v3, v0;
	_ =	sdelay $0x1  }
0x55: {  	v4 =	vadd.s32 v1, v4;
	_ =	sdelay $0x1  }
0x56: {  	v3 =	vperm.xlane v3, v2;
	_ =	sdelay $0x1  }
0x57: {  	s0 =	simm.s32 $0x6100;
	v3 =	vadd.s32 v1, v3  }
0x58: {  	[tilespmem:s0], [sflag:$0x1] =	stream.indirect_vreg.gather [hbm4b:s3+s2], $0x80, v4, vm0, $0xb8;
	[tilespmem:$0x19900] =	vst v63  }
0x59: {  	s0 =	simm.s32 $0x6900  }
0x5a: {  	[tilespmem:s0], [sflag:$0x1] =	stream.indirect_vreg.gather [hbm4b:s5+s2], $0x80, v4, vm1, $0xb8;
	[tilespmem:$0x19900] =	vst v63  }
0x5b: {  	s0 =	simm.s32 $0x6D00  }
0x5c: {  	[tilespmem:s0], [sflag:$0x1] =	stream.indirect_vreg.gather [hbm4b:s3+s2], $0x80, v3, vm0, $0xb8;
	[tilespmem:$0x19900] =	vst v63  }
0x5d: {  	s0 =	simm.s32 $0x7500  }
0x5e: {  	[tilespmem:s0], [sflag:$0x1] =	stream.indirect_vreg.gather [hbm4b:s5+s2], $0x80, v3, vm1, $0xb8;
	[tilespmem:$0x19900] =	vst v63  }
0x5f: {  	v3 =	vld [tilespmem:$0x40];
	_ =	sdelay $0x4  }
0x60: {  	v60 =	vshrl.u32 v3, $0x3  }
0x61: {  	v4 =	vmul.u32 $0x18, v60  }
0x62: {  	v3 =	vand.u32 $0x7, v3  }
0x63: {  	v3 =	vor.u32 v3, v4  }
0x64: {  	v4 =	vperm.xlane v3, v0;
	_ =	sdelay $0x1  }
0x65: {  	v4 =	vadd.s32 v1, v4;
	_ =	sdelay $0x1  }
0x66: {  	v3 =	vperm.xlane v3, v2;
	_ =	sdelay $0x1  }
0x67: {  	s0 =	simm.s32 $0x7900;
	v3 =	vadd.s32 v1, v3  }
0x68: {  	[tilespmem:s0], [sflag:$0x1] =	stream.indirect_vreg.gather [hbm4b:s3+s2], $0x80, v4, vm0, $0xb8;
	[tilespmem:$0x19900] =	vst v63  }
0x69: {  	s0 =	simm.s32 $0x8100  }
0x6a: {  	[tilespmem:s0], [sflag:$0x1] =	stream.indirect_vreg.gather [hbm4b:s5+s2], $0x80, v4, vm1, $0xb8;
	[tilespmem:$0x19900] =	vst v63  }
0x6b: {  	s0 =	simm.s32 $0x8500  }
0x6c: {  	[tilespmem:s0], [sflag:$0x1] =	stream.indirect_vreg.gather [hbm4b:s3+s2], $0x80, v3, vm0, $0xb8;
	[tilespmem:$0x19900] =	vst v63  }
0x6d: {  	s0 =	simm.s32 $0x8D00  }
0x6e: {  	[tilespmem:s0], [sflag:$0x1] =	stream.indirect_vreg.gather [hbm4b:s5+s2], $0x80, v3, vm1, $0xb8;
	[tilespmem:$0x19900] =	vst v63  }
0x6f: {  	v3 =	vld [tilespmem:$0x50];
	_ =	sdelay $0x4  }
0x70: {  	v61 =	vshrl.u32 v3, $0x3  }
0x71: {  	v4 =	vmul.u32 $0x18, v61  }
0x72: {  	v3 =	vand.u32 $0x7, v3  }
0x73: {  	v3 =	vor.u32 v3, v4  }
0x74: {  	v4 =	vperm.xlane v3, v0;
	_ =	sdelay $0x1  }
0x75: {  	v4 =	vadd.s32 v1, v4;
	_ =	sdelay $0x1  }
0x76: {  	v3 =	vperm.xlane v3, v2;
	_ =	sdelay $0x1  }
0x77: {  	s0 =	simm.s32 $0x9100;
	v3 =	vadd.s32 v1, v3  }
0x78: {  	[tilespmem:s0], [sflag:$0x1] =	stream.indirect_vreg.gather [hbm4b:s3+s2], $0x80, v4, vm0, $0xb8;
	[tilespmem:$0x19900] =	vst v63  }
0x79: {  	s0 =	simm.s32 $0x9900  }
0x7a: {  	[tilespmem:s0], [sflag:$0x1] =	stream.indirect_vreg.gather [hbm4b:s5+s2], $0x80, v4, vm1, $0xb8;
	[tilespmem:$0x19900] =	vst v63  }
0x7b: {  	s0 =	simm.s32 $0x9D00  }
0x7c: {  	[tilespmem:s0], [sflag:$0x1] =	stream.indirect_vreg.gather [hbm4b:s3+s2], $0x80, v3, vm0, $0xb8;
	[tilespmem:$0x19900] =	vst v63  }
0x7d: {  	s0 =	simm.s32 $0xA500  }
0x7e: {  	[tilespmem:s0], [sflag:$0x1] =	stream.indirect_vreg.gather [hbm4b:s5+s2], $0x80, v3, vm1, $0xb8;
	[tilespmem:$0x19900] =	vst v63  }
0x7f: {  	v3 =	vld [tilespmem:$0x60];
	_ =	sdelay $0x4  }
0x80: {  	v62 =	vshrl.u32 v3, $0x3  }
0x81: {  	v4 =	vmul.u32 $0x18, v62  }
0x82: {  	v3 =	vand.u32 $0x7, v3  }
0x83: {  	v3 =	vor.u32 v3, v4  }
0x84: {  	v4 =	vperm.xlane v3, v0;
	_ =	sdelay $0x1  }
0x85: {  	v4 =	vadd.s32 v1, v4;
	_ =	sdelay $0x1  }
0x86: {  	v3 =	vperm.xlane v3, v2;
	_ =	sdelay $0x1  }
0x87: {  	s0 =	simm.s32 $0xA900;
	v3 =	vadd.s32 v1, v3  }
0x88: {  	[tilespmem:s0], [sflag:$0x1] =	stream.indirect_vreg.gather [hbm4b:s3+s2], $0x80, v4, vm0, $0xb8;
	[tilespmem:$0x19900] =	vst v63  }
0x89: {  	s0 =	simm.s32 $0xB100  }
0x8a: {  	[tilespmem:s0], [sflag:$0x1] =	stream.indirect_vreg.gather [hbm4b:s5+s2], $0x80, v4, vm1, $0xb8;
	[tilespmem:$0x19900] =	vst v63  }
0x8b: {  	s0 =	simm.s32 $0xB500  }
0x8c: {  	[tilespmem:s0], [sflag:$0x1] =	stream.indirect_vreg.gather [hbm4b:s3+s2], $0x80, v3, vm0, $0xb8;
	[tilespmem:$0x19900] =	vst v63  }
0x8d: {  	s0 =	simm.s32 $0xBD00  }
0x8e: {  	[tilespmem:s0], [sflag:$0x1] =	stream.indirect_vreg.gather [hbm4b:s5+s2], $0x80, v3, vm1, $0xb8;
	[tilespmem:$0x19900] =	vst v63  }
0x8f: {  	v3 =	vld [tilespmem:$0x70];
	_ =	sdelay $0x4  }
0x90: {  	v63 =	vshrl.u32 v3, $0x3  }
0x91: {  	v4 =	vmul.u32 $0x18, v63  }
0x92: {  	v3 =	vand.u32 $0x7, v3  }
0x93: {  	v3 =	vor.u32 v3, v4  }
0x94: {  	v4 =	vperm.xlane v3, v0;
	_ =	sdelay $0x1  }
0x95: {  	v4 =	vadd.s32 v1, v4;
	_ =	sdelay $0x2  }
0x96: {  	v3 =	vperm.xlane v3, v2  }
0x97: {  	s0 =	simm.s32 $0xC100  }
0x98: {  	v3 =	vadd.s32 v1, v3;
	[tilespmem:s0], [sflag:$0x1] =	stream.indirect_vreg.gather [hbm4b:s3+s2], $0x80, v4, vm0, $0xb8;
	[tilespmem:$0x19900] =	vst v63  }
0x99: {  	s0 =	simm.s32 $0xC900  }
0x9a: {  	[tilespmem:s0], [sflag:$0x1] =	stream.indirect_vreg.gather [hbm4b:s5+s2], $0x80, v4, vm1, $0xb8;
	[tilespmem:$0x19900] =	vst v63  }
.Ltmp2:
0x9b: {  	_ = 	snop;
	(pc) =	sbr.rel .LBB2_2-.Ltmp2, $4  }
0x9c: {  	s0 =	simm.s32 $0xCD00  }
0x9d: {  	[tilespmem:s0], [sflag:$0x1] =	stream.indirect_vreg.gather [hbm4b:s3+s2], $0x80, v3, vm0, $0xb8;
	[tilespmem:$0x19900] =	vst v63  }
0x9e: {  	s30 =	simm.s32 $0xC0;
	s31 =	simm.s32 $0x0;
	s0 =	simm.s32 $0xD500  }
0x9f: {  	[tilespmem:s0], [sflag:$0x1] =	stream.indirect_vreg.gather [hbm4b:s5+s2], $0x80, v3, vm1, $0xb8;
	[tilespmem:$0x19900] =	vst v63  }
.LBB2_4:
0xa0: {  	_ =	swait.ge [sflag:s29], $0xC000;
	s0 =	sadd.s32 s31, s7;
	s31 =	sadd.s32 $0x3000, s31  }
0xa1: {  	[sflag:s29] =	ssyncset.done $0x0;
	p0 =	sne.s32 s31, $0x4B000  }
.Ltmp3:
0xa2: {  	[sflag:s29] =	ssyncadd.s32 $0xFFFF4000;
	(pc) =	sbr.rel @!p0 .LBB2_5-.Ltmp3, $4  }
0xa3: {  	[hbm4b:s0+s2] =	stream.linear.scatter [tilespmem:s18], [sflag:$0x3], $0xC000, $0x38;
	[tilespmem:$0x19900] =	vst v63  }
0xa4: {  	_ =	swait.ge [sflag:s9], $0xC000  }
0xa5: {  	[sflag:s9] =	ssyncset.done $0x0  }
0xa6: {  	s30 =	sadd.s32 $0x100, s30;
	[sflag:s9] =	ssyncadd.s32 $0xFFFF4000  }
.LBB2_2:
0xa7: {  	v3 =	vld [tilespmem:s30+$0xFFFFFFC0];
	_ =	sdelay $0x4  }
0xa8: {  	v4 =	vshrl.u32 v3, $0x3  }
0xa9: {  	v4 =	vmul.u32 $0x18, v4  }
0xaa: {  	v3 =	vand.u32 $0x7, v3  }
0xab: {  	v3 =	vor.u32 v3, v4  }
0xac: {  	v4 =	vperm.xlane v3, v0;
	_ =	sdelay $0x1  }
0xad: {  	v4 =	vadd.s32 v1, v4;
	_ =	sdelay $0x1  }
0xae: {  	v3 =	vperm.xlane v3, v2;
	_ =	sdelay $0x1  }
0xaf: {  	v3 =	vadd.s32 v1, v3  }
0xb0: {  	[tilespmem:s18], [sflag:$0x2] =	stream.indirect_vreg.gather [hbm4b:s3+s2], $0x80, v4, vm0, $0xb8;
	[tilespmem:$0x19900] =	vst v63  }
0xb1: {  	s0 =	simm.s32 $0xE100  }
0xb2: {  	[tilespmem:s0], [sflag:$0x2] =	stream.indirect_vreg.gather [hbm4b:s5+s2], $0x80, v4, vm1, $0xb8;
	[tilespmem:$0x19900] =	vst v63  }
0xb3: {  	s0 =	simm.s32 $0xE500  }
0xb4: {  	[tilespmem:s0], [sflag:$0x2] =	stream.indirect_vreg.gather [hbm4b:s3+s2], $0x80, v3, vm0, $0xb8;
	[tilespmem:$0x19900] =	vst v63  }
0xb5: {  	s0 =	simm.s32 $0xED00  }
0xb6: {  	[tilespmem:s0], [sflag:$0x2] =	stream.indirect_vreg.gather [hbm4b:s5+s2], $0x80, v3, vm1, $0xb8;
	[tilespmem:$0x19900] =	vst v63  }
0xb7: {  	v3 =	vld [tilespmem:s30+$0xFFFFFFD0];
	_ =	sdelay $0x4  }
0xb8: {  	v57 =	vshrl.u32 v3, $0x3  }
0xb9: {  	v4 =	vmul.u32 $0x18, v57  }
0xba: {  	v3 =	vand.u32 $0x7, v3  }
0xbb: {  	v3 =	vor.u32 v3, v4  }
0xbc: {  	v4 =	vperm.xlane v3, v0;
	_ =	sdelay $0x1  }
0xbd: {  	v4 =	vadd.s32 v1, v4;
	_ =	sdelay $0x1  }
0xbe: {  	v3 =	vperm.xlane v3, v2;
	_ =	sdelay $0x1  }
0xbf: {  	s0 =	simm.s32 $0xF100;
	v3 =	vadd.s32 v1, v3  }
0xc0: {  	[tilespmem:s0], [sflag:$0x2] =	stream.indirect_vreg.gather [hbm4b:s3+s2], $0x80, v4, vm0, $0xb8;
	[tilespmem:$0x19900] =	vst v63  }
0xc1: {  	s0 =	simm.s32 $0xF900  }
0xc2: {  	[tilespmem:s0], [sflag:$0x2] =	stream.indirect_vreg.gather [hbm4b:s5+s2], $0x80, v4, vm1, $0xb8;
	[tilespmem:$0x19900] =	vst v63  }
0xc3: {  	s0 =	simm.s32 $0xFD00  }
0xc4: {  	[tilespmem:s0], [sflag:$0x2] =	stream.indirect_vreg.gather [hbm4b:s3+s2], $0x80, v3, vm0, $0xb8;
	[tilespmem:$0x19900] =	vst v63  }
0xc5: {  	s0 =	simm.s32 $0x10500  }
0xc6: {  	[tilespmem:s0], [sflag:$0x2] =	stream.indirect_vreg.gather [hbm4b:s5+s2], $0x80, v3, vm1, $0xb8;
	[tilespmem:$0x19900] =	vst v63  }
0xc7: {  	v3 =	vld [tilespmem:s30+$0xFFFFFFE0];
	_ =	sdelay $0x4  }
0xc8: {  	v58 =	vshrl.u32 v3, $0x3  }
0xc9: {  	v4 =	vmul.u32 $0x18, v58  }
0xca: {  	v3 =	vand.u32 $0x7, v3  }
0xcb: {  	v3 =	vor.u32 v3, v4  }
0xcc: {  	v4 =	vperm.xlane v3, v0;
	_ =	sdelay $0x1  }
0xcd: {  	v4 =	vadd.s32 v1, v4;
	_ =	sdelay $0x1  }
0xce: {  	v3 =	vperm.xlane v3, v2;
	_ =	sdelay $0x1  }
0xcf: {  	s0 =	simm.s32 $0x10900;
	v3 =	vadd.s32 v1, v3  }
0xd0: {  	[tilespmem:s0], [sflag:$0x2] =	stream.indirect_vreg.gather [hbm4b:s3+s2], $0x80, v4, vm0, $0xb8;
	[tilespmem:$0x19900] =	vst v63  }
0xd1: {  	s0 =	simm.s32 $0x11100  }
0xd2: {  	[tilespmem:s0], [sflag:$0x2] =	stream.indirect_vreg.gather [hbm4b:s5+s2], $0x80, v4, vm1, $0xb8;
	[tilespmem:$0x19900] =	vst v63  }
0xd3: {  	s0 =	simm.s32 $0x11500  }
0xd4: {  	[tilespmem:s0], [sflag:$0x2] =	stream.indirect_vreg.gather [hbm4b:s3+s2], $0x80, v3, vm0, $0xb8;
	[tilespmem:$0x19900] =	vst v63  }
0xd5: {  	s0 =	simm.s32 $0x11D00  }
0xd6: {  	[tilespmem:s0], [sflag:$0x2] =	stream.indirect_vreg.gather [hbm4b:s5+s2], $0x80, v3, vm1, $0xb8;
	[tilespmem:$0x19900] =	vst v63  }
0xd7: {  	v3 =	vld [tilespmem:s30+$0xFFFFFFF0];
	_ =	sdelay $0x4  }
0xd8: {  	v59 =	vshrl.u32 v3, $0x3  }
0xd9: {  	v4 =	vmul.u32 $0x18, v59  }
0xda: {  	v3 =	vand.u32 $0x7, v3  }
0xdb: {  	v3 =	vor.u32 v3, v4  }
0xdc: {  	v4 =	vperm.xlane v3, v0;
	_ =	sdelay $0x1  }
0xdd: {  	v4 =	vadd.s32 v1, v4;
	_ =	sdelay $0x1  }
0xde: {  	v3 =	vperm.xlane v3, v2;
	_ =	sdelay $0x1  }
0xdf: {  	s0 =	simm.s32 $0x12100;
	v3 =	vadd.s32 v1, v3  }
0xe0: {  	[tilespmem:s0], [sflag:$0x2] =	stream.indirect_vreg.gather [hbm4b:s3+s2], $0x80, v4, vm0, $0xb8;
	[tilespmem:$0x19900] =	vst v63  }
0xe1: {  	s0 =	simm.s32 $0x12900  }
0xe2: {  	[tilespmem:s0], [sflag:$0x2] =	stream.indirect_vreg.gather [hbm4b:s5+s2], $0x80, v4, vm1, $0xb8;
	[tilespmem:$0x19900] =	vst v63  }
0xe3: {  	_ = 	snop  }
0xe4: {  	[tilespmem:s1], [sflag:$0x2] =	stream.indirect_vreg.gather [hbm4b:s3+s2], $0x80, v3, vm0, $0xb8;
	[tilespmem:$0x19900] =	vst v63  }
0xe5: {  	_ = 	snop  }
0xe6: {  	[tilespmem:s4], [sflag:$0x2] =	stream.indirect_vreg.gather [hbm4b:s5+s2], $0x80, v3, vm1, $0xb8;
	[tilespmem:$0x19900] =	vst v63  }
0xe7: {  	v3 =	vld [tilespmem:s30+$0x0];
	_ =	sdelay $0x4  }
0xe8: {  	v60 =	vshrl.u32 v3, $0x3  }
0xe9: {  	v4 =	vmul.u32 $0x18, v60  }
0xea: {  	v3 =	vand.u32 $0x7, v3  }
0xeb: {  	v3 =	vor.u32 v3, v4  }
0xec: {  	v4 =	vperm.xlane v3, v0;
	_ =	sdelay $0x1  }
0xed: {  	v4 =	vadd.s32 v1, v4;
	_ =	sdelay $0x1  }
0xee: {  	v3 =	vperm.xlane v3, v2;
	_ =	sdelay $0x1  }
0xef: {  	v3 =	vadd.s32 v1, v3  }
0xf0: {  	[tilespmem:s6], [sflag:$0x2] =	stream.indirect_vreg.gather [hbm4b:s3+s2], $0x80, v4, vm0, $0xb8;
	[tilespmem:$0x19900] =	vst v63  }
0xf1: {  	_ = 	snop  }
0xf2: {  	[tilespmem:s11], [sflag:$0x2] =	stream.indirect_vreg.gather [hbm4b:s5+s2], $0x80, v4, vm1, $0xb8;
	[tilespmem:$0x19900] =	vst v63  }
0xf3: {  	_ = 	snop  }
0xf4: {  	[tilespmem:s12], [sflag:$0x2] =	stream.indirect_vreg.gather [hbm4b:s3+s2], $0x80, v3, vm0, $0xb8;
	[tilespmem:$0x19900] =	vst v63  }
0xf5: {  	_ = 	snop  }
0xf6: {  	[tilespmem:s13], [sflag:$0x2] =	stream.indirect_vreg.gather [hbm4b:s5+s2], $0x80, v3, vm1, $0xb8;
	[tilespmem:$0x19900] =	vst v63  }
0xf7: {  	v3 =	vld [tilespmem:s30+$0x10];
	_ =	sdelay $0x4  }
0xf8: {  	v61 =	vshrl.u32 v3, $0x3  }
0xf9: {  	v4 =	vmul.u32 $0x18, v61  }
0xfa: {  	v3 =	vand.u32 $0x7, v3  }
0xfb: {  	v3 =	vor.u32 v3, v4  }
0xfc: {  	v4 =	vperm.xlane v3, v0;
	_ =	sdelay $0x1  }
0xfd: {  	v4 =	vadd.s32 v1, v4;
	_ =	sdelay $0x1  }
0xfe: {  	v3 =	vperm.xlane v3, v2;
	_ =	sdelay $0x1  }
0xff: {  	v3 =	vadd.s32 v1, v3  }
0x100: {  	[tilespmem:s14], [sflag:$0x2] =	stream.indirect_vreg.gather [hbm4b:s3+s2], $0x80, v4, vm0, $0xb8;
	[tilespmem:$0x19900] =	vst v63  }
0x101: {  	_ = 	snop  }
0x102: {  	[tilespmem:s15], [sflag:$0x2] =	stream.indirect_vreg.gather [hbm4b:s5+s2], $0x80, v4, vm1, $0xb8;
	[tilespmem:$0x19900] =	vst v63  }
0x103: {  	_ = 	snop  }
0x104: {  	[tilespmem:s16], [sflag:$0x2] =	stream.indirect_vreg.gather [hbm4b:s3+s2], $0x80, v3, vm0, $0xb8;
	[tilespmem:$0x19900] =	vst v63  }
0x105: {  	_ = 	snop  }
0x106: {  	[tilespmem:s17], [sflag:$0x2] =	stream.indirect_vreg.gather [hbm4b:s5+s2], $0x80, v3, vm1, $0xb8;
	[tilespmem:$0x19900] =	vst v63  }
0x107: {  	v3 =	vld [tilespmem:s30+$0x20];
	_ =	sdelay $0x4  }
0x108: {  	v62 =	vshrl.u32 v3, $0x3  }
0x109: {  	v4 =	vmul.u32 $0x18, v62  }
0x10a: {  	v3 =	vand.u32 $0x7, v3  }
0x10b: {  	v3 =	vor.u32 v3, v4  }
0x10c: {  	v4 =	vperm.xlane v3, v0;
	_ =	sdelay $0x1  }
0x10d: {  	v4 =	vadd.s32 v1, v4;
	_ =	sdelay $0x1  }
0x10e: {  	v3 =	vperm.xlane v3, v2;
	_ =	sdelay $0x1  }
0x10f: {  	v3 =	vadd.s32 v1, v3  }
0x110: {  	[tilespmem:s19], [sflag:$0x2] =	stream.indirect_vreg.gather [hbm4b:s3+s2], $0x80, v4, vm0, $0xb8;
	[tilespmem:$0x19900] =	vst v63  }
0x111: {  	_ = 	snop  }
0x112: {  	[tilespmem:s20], [sflag:$0x2] =	stream.indirect_vreg.gather [hbm4b:s5+s2], $0x80, v4, vm1, $0xb8;
	[tilespmem:$0x19900] =	vst v63  }
0x113: {  	_ = 	snop  }
0x114: {  	[tilespmem:s21], [sflag:$0x2] =	stream.indirect_vreg.gather [hbm4b:s3+s2], $0x80, v3, vm0, $0xb8;
	[tilespmem:$0x19900] =	vst v63  }
0x115: {  	_ = 	snop  }
0x116: {  	[tilespmem:s22], [sflag:$0x2] =	stream.indirect_vreg.gather [hbm4b:s5+s2], $0x80, v3, vm1, $0xb8;
	[tilespmem:$0x19900] =	vst v63  }
0x117: {  	v3 =	vld [tilespmem:s30+$0x30];
	_ =	sdelay $0x4  }
0x118: {  	v63 =	vshrl.u32 v3, $0x3  }
0x119: {  	v4 =	vmul.u32 $0x18, v63  }
0x11a: {  	v3 =	vand.u32 $0x7, v3  }
0x11b: {  	v3 =	vor.u32 v3, v4  }
0x11c: {  	v4 =	vperm.xlane v3, v0;
	_ =	sdelay $0x1  }
0x11d: {  	v4 =	vadd.s32 v1, v4;
	_ =	sdelay $0x1  }
0x11e: {  	v3 =	vperm.xlane v3, v2;
	_ =	sdelay $0x1  }
0x11f: {  	v3 =	vadd.s32 v1, v3  }
0x120: {  	[tilespmem:s23], [sflag:$0x2] =	stream.indirect_vreg.gather [hbm4b:s3+s2], $0x80, v4, vm0, $0xb8;
	[tilespmem:$0x19900] =	vst v63  }
0x121: {  	_ = 	snop  }
0x122: {  	[tilespmem:s24], [sflag:$0x2] =	stream.indirect_vreg.gather [hbm4b:s5+s2], $0x80, v4, vm1, $0xb8;
	[tilespmem:$0x19900] =	vst v63  }
0x123: {  	_ = 	snop  }
0x124: {  	[tilespmem:s25], [sflag:$0x2] =	stream.indirect_vreg.gather [hbm4b:s3+s2], $0x80, v3, vm0, $0xb8;
	[tilespmem:$0x19900] =	vst v63  }
0x125: {  	_ = 	snop  }
0x126: {  	[tilespmem:s26], [sflag:$0x2] =	stream.indirect_vreg.gather [hbm4b:s5+s2], $0x80, v3, vm1, $0xb8;
	[tilespmem:$0x19900] =	vst v63  }
0x127: {  	_ =	swait.ge [sflag:s28], $0xC000  }
0x128: {  	p0 =	seq.s32 s31, $0x48000;
	[sflag:s28] =	ssyncset.done $0x0  }
.Ltmp4:
0x129: {  	s0 =	sadd.s32 s31, s8;
	[sflag:s28] =	ssyncadd.s32 $0xFFFF4000;
	(pc) =	sbr.rel @p0 .LBB2_4-.Ltmp4, $4  }
0x12a: {  	[hbm4b:s0+s2] =	stream.linear.scatter [tilespmem:s10], [sflag:$0x3], $0xC000, $0x38;
	[tilespmem:$0x19900] =	vst v63  }
0x12b: {  	_ =	swait.ge [sflag:s9], $0xC000  }
0x12c: {  	[sflag:s9] =	ssyncset.done $0x0  }
0x12d: {  	[sflag:s9] =	ssyncadd.s32 $0xFFFF4000  }
0x12e: {  	v3 =	vld [tilespmem:s30+$0x40];
	_ =	sdelay $0x4  }
0x12f: {  	v4 =	vshrl.u32 v3, $0x3  }
0x130: {  	v4 =	vmul.u32 $0x18, v4  }
0x131: {  	v3 =	vand.u32 $0x7, v3  }
0x132: {  	v3 =	vor.u32 v3, v4  }
0x133: {  	v4 =	vperm.xlane v3, v0;
	_ =	sdelay $0x1  }
0x134: {  	v4 =	vadd.s32 v1, v4;
	_ =	sdelay $0x1  }
0x135: {  	v3 =	vperm.xlane v3, v2;
	_ =	sdelay $0x1  }
0x136: {  	v3 =	vadd.s32 v1, v3  }
0x137: {  	[tilespmem:s10], [sflag:$0x1] =	stream.indirect_vreg.gather [hbm4b:s3+s2], $0x80, v4, vm0, $0xb8;
	[tilespmem:$0x19900] =	vst v63  }
0x138: {  	s0 =	simm.s32 $0x2100  }
0x139: {  	[tilespmem:s0], [sflag:$0x1] =	stream.indirect_vreg.gather [hbm4b:s5+s2], $0x80, v4, vm1, $0xb8;
	[tilespmem:$0x19900] =	vst v63  }
0x13a: {  	s0 =	simm.s32 $0x2500  }
0x13b: {  	[tilespmem:s0], [sflag:$0x1] =	stream.indirect_vreg.gather [hbm4b:s3+s2], $0x80, v3, vm0, $0xb8;
	[tilespmem:$0x19900] =	vst v63  }
0x13c: {  	s0 =	simm.s32 $0x2D00  }
0x13d: {  	[tilespmem:s0], [sflag:$0x1] =	stream.indirect_vreg.gather [hbm4b:s5+s2], $0x80, v3, vm1, $0xb8;
	[tilespmem:$0x19900] =	vst v63  }
0x13e: {  	v3 =	vld [tilespmem:s30+$0x50];
	_ =	sdelay $0x4  }
0x13f: {  	v57 =	vshrl.u32 v3, $0x3  }
0x140: {  	v4 =	vmul.u32 $0x18, v57  }
0x141: {  	v3 =	vand.u32 $0x7, v3  }
0x142: {  	v3 =	vor.u32 v3, v4  }
0x143: {  	v4 =	vperm.xlane v3, v0;
	_ =	sdelay $0x1  }
0x144: {  	v4 =	vadd.s32 v1, v4;
	_ =	sdelay $0x1  }
0x145: {  	v3 =	vperm.xlane v3, v2;
	_ =	sdelay $0x1  }
0x146: {  	s0 =	simm.s32 $0x3100;
	v3 =	vadd.s32 v1, v3  }
0x147: {  	[tilespmem:s0], [sflag:$0x1] =	stream.indirect_vreg.gather [hbm4b:s3+s2], $0x80, v4, vm0, $0xb8;
	[tilespmem:$0x19900] =	vst v63  }
0x148: {  	s0 =	simm.s32 $0x3900  }
0x149: {  	[tilespmem:s0], [sflag:$0x1] =	stream.indirect_vreg.gather [hbm4b:s5+s2], $0x80, v4, vm1, $0xb8;
	[tilespmem:$0x19900] =	vst v63  }
0x14a: {  	s0 =	simm.s32 $0x3D00  }
0x14b: {  	[tilespmem:s0], [sflag:$0x1] =	stream.indirect_vreg.gather [hbm4b:s3+s2], $0x80, v3, vm0, $0xb8;
	[tilespmem:$0x19900] =	vst v63  }
0x14c: {  	s0 =	simm.s32 $0x4500  }
0x14d: {  	[tilespmem:s0], [sflag:$0x1] =	stream.indirect_vreg.gather [hbm4b:s5+s2], $0x80, v3, vm1, $0xb8;
	[tilespmem:$0x19900] =	vst v63  }
0x14e: {  	v3 =	vld [tilespmem:s30+$0x60];
	_ =	sdelay $0x4  }
0x14f: {  	v58 =	vshrl.u32 v3, $0x3  }
0x150: {  	v4 =	vmul.u32 $0x18, v58  }
0x151: {  	v3 =	vand.u32 $0x7, v3  }
0x152: {  	v3 =	vor.u32 v3, v4  }
0x153: {  	v4 =	vperm.xlane v3, v0;
	_ =	sdelay $0x1  }
0x154: {  	v4 =	vadd.s32 v1, v4;
	_ =	sdelay $0x1  }
0x155: {  	v3 =	vperm.xlane v3, v2;
	_ =	sdelay $0x1  }
0x156: {  	s0 =	simm.s32 $0x4900;
	v3 =	vadd.s32 v1, v3  }
0x157: {  	[tilespmem:s0], [sflag:$0x1] =	stream.indirect_vreg.gather [hbm4b:s3+s2], $0x80, v4, vm0, $0xb8;
	[tilespmem:$0x19900] =	vst v63  }
0x158: {  	s0 =	simm.s32 $0x5100  }
0x159: {  	[tilespmem:s0], [sflag:$0x1] =	stream.indirect_vreg.gather [hbm4b:s5+s2], $0x80, v4, vm1, $0xb8;
	[tilespmem:$0x19900] =	vst v63  }
0x15a: {  	s0 =	simm.s32 $0x5500  }
0x15b: {  	[tilespmem:s0], [sflag:$0x1] =	stream.indirect_vreg.gather [hbm4b:s3+s2], $0x80, v3, vm0, $0xb8;
	[tilespmem:$0x19900] =	vst v63  }
0x15c: {  	s0 =	simm.s32 $0x5D00  }
0x15d: {  	[tilespmem:s0], [sflag:$0x1] =	stream.indirect_vreg.gather [hbm4b:s5+s2], $0x80, v3, vm1, $0xb8;
	[tilespmem:$0x19900] =	vst v63  }
0x15e: {  	v3 =	vld [tilespmem:s30+$0x70];
	_ =	sdelay $0x4  }
0x15f: {  	v59 =	vshrl.u32 v3, $0x3  }
0x160: {  	v4 =	vmul.u32 $0x18, v59  }
0x161: {  	v3 =	vand.u32 $0x7, v3  }
0x162: {  	v3 =	vor.u32 v3, v4  }
0x163: {  	v4 =	vperm.xlane v3, v0;
	_ =	sdelay $0x1  }
0x164: {  	v4 =	vadd.s32 v1, v4;
	_ =	sdelay $0x1  }
0x165: {  	v3 =	vperm.xlane v3, v2;
	_ =	sdelay $0x1  }
0x166: {  	s0 =	simm.s32 $0x6100;
	v3 =	vadd.s32 v1, v3  }
0x167: {  	[tilespmem:s0], [sflag:$0x1] =	stream.indirect_vreg.gather [hbm4b:s3+s2], $0x80, v4, vm0, $0xb8;
	[tilespmem:$0x19900] =	vst v63  }
0x168: {  	s0 =	simm.s32 $0x6900  }
0x169: {  	[tilespmem:s0], [sflag:$0x1] =	stream.indirect_vreg.gather [hbm4b:s5+s2], $0x80, v4, vm1, $0xb8;
	[tilespmem:$0x19900] =	vst v63  }
0x16a: {  	s0 =	simm.s32 $0x6D00  }
0x16b: {  	[tilespmem:s0], [sflag:$0x1] =	stream.indirect_vreg.gather [hbm4b:s3+s2], $0x80, v3, vm0, $0xb8;
	[tilespmem:$0x19900] =	vst v63  }
0x16c: {  	s0 =	simm.s32 $0x7500  }
0x16d: {  	[tilespmem:s0], [sflag:$0x1] =	stream.indirect_vreg.gather [hbm4b:s5+s2], $0x80, v3, vm1, $0xb8;
	[tilespmem:$0x19900] =	vst v63  }
0x16e: {  	v3 =	vld [tilespmem:s30+$0x80];
	_ =	sdelay $0x4  }
0x16f: {  	v60 =	vshrl.u32 v3, $0x3  }
0x170: {  	v4 =	vmul.u32 $0x18, v60  }
0x171: {  	v3 =	vand.u32 $0x7, v3  }
0x172: {  	v3 =	vor.u32 v3, v4  }
0x173: {  	v4 =	vperm.xlane v3, v0;
	_ =	sdelay $0x1  }
0x174: {  	v4 =	vadd.s32 v1, v4;
	_ =	sdelay $0x1  }
0x175: {  	v3 =	vperm.xlane v3, v2;
	_ =	sdelay $0x1  }
0x176: {  	s0 =	simm.s32 $0x7900;
	v3 =	vadd.s32 v1, v3  }
0x177: {  	[tilespmem:s0], [sflag:$0x1] =	stream.indirect_vreg.gather [hbm4b:s3+s2], $0x80, v4, vm0, $0xb8;
	[tilespmem:$0x19900] =	vst v63  }
0x178: {  	s0 =	simm.s32 $0x8100  }
0x179: {  	[tilespmem:s0], [sflag:$0x1] =	stream.indirect_vreg.gather [hbm4b:s5+s2], $0x80, v4, vm1, $0xb8;
	[tilespmem:$0x19900] =	vst v63  }
0x17a: {  	s0 =	simm.s32 $0x8500  }
0x17b: {  	[tilespmem:s0], [sflag:$0x1] =	stream.indirect_vreg.gather [hbm4b:s3+s2], $0x80, v3, vm0, $0xb8;
	[tilespmem:$0x19900] =	vst v63  }
0x17c: {  	s0 =	simm.s32 $0x8D00  }
0x17d: {  	[tilespmem:s0], [sflag:$0x1] =	stream.indirect_vreg.gather [hbm4b:s5+s2], $0x80, v3, vm1, $0xb8;
	[tilespmem:$0x19900] =	vst v63  }
0x17e: {  	v3 =	vld [tilespmem:s30+$0x90];
	_ =	sdelay $0x4  }
0x17f: {  	v61 =	vshrl.u32 v3, $0x3  }
0x180: {  	v4 =	vmul.u32 $0x18, v61  }
0x181: {  	v3 =	vand.u32 $0x7, v3  }
0x182: {  	v3 =	vor.u32 v3, v4  }
0x183: {  	v4 =	vperm.xlane v3, v0;
	_ =	sdelay $0x1  }
0x184: {  	v4 =	vadd.s32 v1, v4;
	_ =	sdelay $0x1  }
0x185: {  	v3 =	vperm.xlane v3, v2;
	_ =	sdelay $0x1  }
0x186: {  	s0 =	simm.s32 $0x9100;
	v3 =	vadd.s32 v1, v3  }
0x187: {  	[tilespmem:s0], [sflag:$0x1] =	stream.indirect_vreg.gather [hbm4b:s3+s2], $0x80, v4, vm0, $0xb8;
	[tilespmem:$0x19900] =	vst v63  }
0x188: {  	s0 =	simm.s32 $0x9900  }
0x189: {  	[tilespmem:s0], [sflag:$0x1] =	stream.indirect_vreg.gather [hbm4b:s5+s2], $0x80, v4, vm1, $0xb8;
	[tilespmem:$0x19900] =	vst v63  }
0x18a: {  	s0 =	simm.s32 $0x9D00  }
0x18b: {  	[tilespmem:s0], [sflag:$0x1] =	stream.indirect_vreg.gather [hbm4b:s3+s2], $0x80, v3, vm0, $0xb8;
	[tilespmem:$0x19900] =	vst v63  }
0x18c: {  	s0 =	simm.s32 $0xA500  }
0x18d: {  	[tilespmem:s0], [sflag:$0x1] =	stream.indirect_vreg.gather [hbm4b:s5+s2], $0x80, v3, vm1, $0xb8;
	[tilespmem:$0x19900] =	vst v63  }
0x18e: {  	v3 =	vld [tilespmem:s30+$0xA0];
	_ =	sdelay $0x4  }
0x18f: {  	v62 =	vshrl.u32 v3, $0x3  }
0x190: {  	v4 =	vmul.u32 $0x18, v62  }
0x191: {  	v3 =	vand.u32 $0x7, v3  }
0x192: {  	v3 =	vor.u32 v3, v4  }
0x193: {  	v4 =	vperm.xlane v3, v0;
	_ =	sdelay $0x1  }
0x194: {  	v4 =	vadd.s32 v1, v4;
	_ =	sdelay $0x1  }
0x195: {  	v3 =	vperm.xlane v3, v2;
	_ =	sdelay $0x1  }
0x196: {  	s0 =	simm.s32 $0xA900;
	v3 =	vadd.s32 v1, v3  }
0x197: {  	[tilespmem:s0], [sflag:$0x1] =	stream.indirect_vreg.gather [hbm4b:s3+s2], $0x80, v4, vm0, $0xb8;
	[tilespmem:$0x19900] =	vst v63  }
0x198: {  	s0 =	simm.s32 $0xB100  }
0x199: {  	[tilespmem:s0], [sflag:$0x1] =	stream.indirect_vreg.gather [hbm4b:s5+s2], $0x80, v4, vm1, $0xb8;
	[tilespmem:$0x19900] =	vst v63  }
0x19a: {  	s0 =	simm.s32 $0xB500  }
0x19b: {  	[tilespmem:s0], [sflag:$0x1] =	stream.indirect_vreg.gather [hbm4b:s3+s2], $0x80, v3, vm0, $0xb8;
	[tilespmem:$0x19900] =	vst v63  }
0x19c: {  	s0 =	simm.s32 $0xBD00  }
0x19d: {  	[tilespmem:s0], [sflag:$0x1] =	stream.indirect_vreg.gather [hbm4b:s5+s2], $0x80, v3, vm1, $0xb8;
	[tilespmem:$0x19900] =	vst v63  }
0x19e: {  	v3 =	vld [tilespmem:s30+$0xB0];
	_ =	sdelay $0x4  }
0x19f: {  	v63 =	vshrl.u32 v3, $0x3  }
0x1a0: {  	v4 =	vmul.u32 $0x18, v63  }
0x1a1: {  	v3 =	vand.u32 $0x7, v3  }
0x1a2: {  	v3 =	vor.u32 v3, v4  }
0x1a3: {  	v4 =	vperm.xlane v3, v0;
	_ =	sdelay $0x1  }
0x1a4: {  	v4 =	vadd.s32 v1, v4;
	_ =	sdelay $0x2  }
0x1a5: {  	v3 =	vperm.xlane v3, v2  }
0x1a6: {  	s0 =	simm.s32 $0xC100  }
0x1a7: {  	v3 =	vadd.s32 v1, v3;
	[tilespmem:s0], [sflag:$0x1] =	stream.indirect_vreg.gather [hbm4b:s3+s2], $0x80, v4, vm0, $0xb8;
	[tilespmem:$0x19900] =	vst v63  }
0x1a8: {  	s0 =	simm.s32 $0xC900  }
0x1a9: {  	[tilespmem:s0], [sflag:$0x1] =	stream.indirect_vreg.gather [hbm4b:s5+s2], $0x80, v4, vm1, $0xb8;
	[tilespmem:$0x19900] =	vst v63  }
.Ltmp5:
0x1aa: {  	_ = 	snop;
	(pc) =	sbr.rel .LBB2_4-.Ltmp5, $4  }
0x1ab: {  	s0 =	simm.s32 $0xCD00  }
0x1ac: {  	[tilespmem:s0], [sflag:$0x1] =	stream.indirect_vreg.gather [hbm4b:s3+s2], $0x80, v3, vm0, $0xb8;
	[tilespmem:$0x19900] =	vst v63  }
0x1ad: {  	s0 =	simm.s32 $0xD500  }
0x1ae: {  	[tilespmem:s0], [sflag:$0x1] =	stream.indirect_vreg.gather [hbm4b:s5+s2], $0x80, v3, vm1, $0xb8;
	[tilespmem:$0x19900] =	vst v63  }
.LBB2_6:
0x1af: {  	_ =	sfence.sel $0x180000  }
0x1b0: {  	[bflag:$0x0] =	sbarrier.arrive $0xFFFF  }
0x1b1: {  	_ =	strace $0x90000047  }
0x1b2: {  	s0 =	stileid.u32;
	[bflag:$0x2] =	sbarrier.arrive $0xFFFF  }
0x1b3: {  	p0 =	sne.s32 s0, $0x0;
	s0 =	rddreg [dreg:$0x1]  }
0x1b4: {  	s0 =	sadd.s32 @!p0 $0x100000, s0  }
0x1b5: {  	[sflag:s0] =	ssyncadd.tile.s32 @!p0 $0x1;
	_ =	shalt  }
.Lfunc_end2:
_tile_overlayer_lowered:
.L_overlay_start_2:
0x1b6: {  	(tag) =	ssettag $0x2  }
0x1b7: {  	s0 =	rddreg [dreg:$0x0];
	s2 =	stileid.u32  }
0x1b8: {  	s1 =	rddreg [dreg:$0x1];
	p0 =	sne.s32 s2, $0x0  }
0x1b9: {  	s3 =	rddreg [dreg:$0x2];
	[bflag:$0x3] =	sbarrier.arrive $0xFFFF;
	s2 =	simm.s32 @!p0 $0x1C03  }
0x1ba: {  	[timem:s3], [sflag:s2] =	dma.local @!p0 [hbm:s0], s1  }
0x1bb: {  	s0 =	simm.s32 @!p0 $0x3  }
0x1bc: {  	_ =	swait.ge @!p0 [sflag:s0], s1  }
0x1bd: {  	s1 =	ssub.s32 @!p0 $0x0, s1;
	[sflag:s0] =	ssyncset.done @!p0 $0x0  }
0x1be: {  	[sflag:s0] =	ssyncadd.s32 @!p0 s1  }
0x1bf: {  	[bflag:$0x3] =	sbarrier.arrive $0xFFFF  }
0x1c0: {  	_ =	shalt  }

// kernel: sparse-core-data-format-call.cloned.1.call-start
scs
called_computation_lowered:
.L_overlay_start_0:
0x0: {  	s2 =	sld [smem:$0x3FD9]  }
0x1: {  	s3 =	sld [smem:$0x3FFE];
	_ =	sdelay $0x1  }
0x2: {  	s1 =	srdreg.scid  }
0x3: {  	s0 =	sand.u32 $0x1, s1  }
0x4: {  	s18 =	sshll.u32 s0, $0xA;
	s2 =	sadd.s32 s3, s2  }
0x5: {  	s2 =	sadd.s32 s2, s18  }
0x6: {  	[smem:$0x3FC6] =	sst s2  }
0x7: {  	_ = 	snop  }
0x8: {  	s2 =	sld [smem:$0x3FD0];
	(tm) =	ssettm $0x1  }
0x9: {  	s19 =	sld [smem:$0x3FFB];
	_ =	sdelay $0x3  }
0xa: {  	_ =	strace s19  }
0xb: {  	s3 =	sld [smem:$0x3FFC];
	_ =	sdelay $0x3  }
0xc: {  	_ =	strace s3  }
0xd: {  	s3 =	sld [smem:$0x3FFD];
	_ =	sdelay $0x3  }
0xe: {  	_ =	strace s3  }
0xf: {  	_ =	strace $0x8FFFFFFF  }
0x10: {  	s20 =	sld [smem:$0x3FDB];
	_ =	sdelay $0x1  }
0x11: {  	s4 =	simm.s32 $_scs_section_size  }
0x12: {  	s5 =	simm.s32 $_size__tile_overlayer_lowered;
	s6 =	simm.s32 $_tile_overlayer_lowered  }
0x13: {  	s23 =	simm.s32 $0x1BFF;
	s22 =	sshll.u32 s6, $0x1;
	s3 =	sadd.s32 s4, s20  }
0x14: {  	s7 =	simm.s32 $0x0;
	s21 =	sshll.u32 s5, $0x1;
	s5 =	sadd.s32 s22, s3  }
0x15: {  	[timem:s7], [sflag:s23] =	dma.local [hbm:s5], s21  }
0x16: {  	_ =	swait.ge [sflag:s23], s21  }
0x17: {  	s4 =	ssub.s32 $0x0, s21;
	[sflag:s23] =	ssyncset.done $0x0  }
0x18: {  	[sflag:s23] =	ssyncadd.s32 s4;
	_ =	sdelay $0x1  }
0x19: {  	s24 =	simm.s32 $0x1B8B  }
0x1a: {  	_ =	swait.ge [sflag:s24], $0x1  }
0x1b: {  	[sflag:s24] =	ssyncset.done $0x0  }
0x1c: {  	s26 =	simm.s32 $0x1B8E;
	s25 =	sld [smem:$0x3FFE];
	[sflag:s24] =	ssyncadd.s32 $0xFFFFFFFF  }
0x1d: {  	s27 =	simm.s32 $execute0_lowered;
	[smem:$0x3FD2] =	sst s26  }
0x1e: {  	s5 =	sshll.u32 s27, $0x1;
	_ =	strace $0x80000049;
	[dreg:$0x1] =	wrdreg $0xFFFFFFFF  }
0x1f: {  	s28 =	simm.s32 $_size_execute0_lowered;
	s3 =	sadd.s32 s3, s5;
	[dreg:$0x0] =	wrdreg $0x0  }
0x20: {  	s5 =	sshll.u32 s28, $0x1;
	[dreg:$0x2] =	wrdreg s3  }
0x21: {  	[dreg:$0x3] =	wrdreg s5  }
0x22: {  	[dreg:$0x4] =	wrdreg $0xC0  }
0x23: {  	_ =	task [dreg:s7], $0x5FFFF  }
0x24: {  	[dreg:$0x1] =	wrdreg $0xFFFFFFFF  }
0x25: {  	[dreg:$0x0] =	wrdreg $0x60  }
0x26: {  	[dreg:$0x2] =	wrdreg s25  }
0x27: {  	[dreg:$0x3] =	wrdreg s2  }
0x28: {  	[dreg:$0x4] =	wrdreg $0x9  }
0x29: {  	_ =	task.clear_ibuf [dreg:s7], $0x5FFFF;
	_ =	strace $0x90000049  }
0x2a: {  	s29 =	simm.s32 $0x9;
	_ =	strace $0x8000004B  }
0x2b: {  	_ =	swait.ge [sflag:s29], $0x1  }
0x2c: {  	[sflag:s29] =	ssyncadd.s32 $0xFFFFFFFF  }
0x2d: {  	_ =	strace $0x9000004B  }
0x2e: {  	_ =	sfence  }
0x2f: {  	s30 =	sld [smem:$0x0];
	_ =	sdelay $0x2  }
0x30: {  	s31 =	sshll.u32 s1, $0xD;
	s1 =	sshrl.u32 s1, $0x2  }
0x31: {  	s3 =	sand.u32 $0x4000, s31;
	s1 =	sadd.s32 s1, s30  }
0x32: {  	s0 =	sor.u32 s3, s0;
	s1 =	sshll.u32 s1, $0x11  }
0x33: {  	s0 =	sor.u32 s1, s0  }
0x34: {  	s0 =	sadd.s32 $0x8F2B, s0  }
0x35: {  	[sflag:s0] =	ssyncadd.remote.s32 $0x1  }
0x36: {  	_ =	sfence.sel $0xFFFF  }
0x37: {  	[dreg:$0x0] =	wrdreg $0xFFFFFFFF;
	(pc) =	sbr.abs _section_cstart, $3  }
0x38: {  	[dreg:$0x1] =	wrdreg $0xFFFFFFFF  }
0x39: {  	_ =	task.clear_ibuf [dreg:s7], $0x2FFFF;
	_ =	strace $0x9FFFFFFF  }
0x3a: {  	(tm) =	ssettm $0x7FFFFFFF  }
0x3b: {  	_ =	shalt  }
tec
execute0_lowered:
.L_overlay_start_1:
0x0: {  	(tag) =	ssettag $0x1  }
0x1: {  	s4 =	rddreg [dreg:$0x0]  }
0x2: {  	s0 =	stileid.u32;
	s2 =	rddreg [dreg:$0x1]  }
0x3: {  	s7 =	srdreg.scid;
	s8 =	simm.s32 $0x2;
	s17 =	simm.s32 $0x0  }
0x4: {  	s9 =	simm.s32 $0x32000;
	s19 =	simm.s32 $0x0;
	s18 =	simm.s32 $0x0  }
0x5: {  	s10 =	simm.s32 $0x0;
	s11 =	simm.s32 $0x0;
	s1 =	sshll.u32 s0, $0x7  }
0x6: {  	s12 =	simm.s32 $0x0;
	s13 =	simm.s32 $0x0;
	s3 =	sand.u32 $0x380, s1  }
0x7: {  	s16 =	simm.s32 $0x0;
	s7 =	sshll.u32 s7, $0x4;
	s5 =	ssub.s32 $0x400, s3  }
0x8: {  	s4 =	sadd.s32 $0x49AA00, s4;
	s1 =	rddreg [dreg:$0x2];
	s6 =	sand.u32 $0x380, s5  }
0x9: {  	s7 =	sand.u32 $0x10, s7;
	p0 =	sne.s32 s6, $0x0;
	s6 =	simm.s32 $0x1  }
.Ltmp0:
0xa: {  	s5 =	sshrl.u32 s5, $0xA;
	s6 =	simm.s32 @!p0 $0x0;
	(pc) =	sbr.rel .LBB1_1-.Ltmp0, $4  }
0xb: {  	_ =	strace $0x8000004A;
	s7 =	sor.u32 s0, s7;
	s6 =	sadd.s32 s6, s5  }
0xc: {  	s7 =	sshrl.u32 s7, $0x3;
	s5 =	simm.s32 $0x1;
	s6 =	smul.u32 $0x96, s6  }
0xd: {  	s15 =	smov.u32 s3;
	s14 =	smov.u32 s7;
	[sflag:s5] =	ssyncpa.u1 $0x0  }
0xe: {  	p0 =	por $0x0, $0x0;
	[sflag:s8] =	ssyncpa.u1 $0x0;
	s8 =	sor.u32 $0x1, s6  }
.LBB1_4:
0xf: {  	s25 =	sshll.u32 s11, $0xA;
	s26 =	sshll.u32 s12, $0x3;
	s24 =	sshra.s32 s24, $0x2  }
0x10: {  	p1 =	sgt.s32 s10, $0xAC;
	s27 =	sshra.s32 s11, $0x1F;
	s28 =	sshra.s32 s10, $0x1F  }
0x11: {  	s29 =	sshra.s32 s12, $0x1F;
	s25 =	sand.u32 $0xFFFFE000, s25;
	s26 =	sand.u32 $0xFFFFFC00, s26  }
0x12: {  	s23 =	sadd.s32 s24, s23;
	s27 =	sand.u32 s27, s11;
	s25 =	sadd.s32 s26, s25  }
0x13: {  	s28 =	sand.u32 s28, s10;
	s24 =	sshrl.u32 s25, $0xA;
	s25 =	smov.u32 s10  }
0x14: {  	s26 =	smov.u32 s11;
	s25 =	simm.s32 @!p1 $0xAC;
	p1 =	sgt.s32 s11, $0xC7  }
0x15: {  	[tilespmem:s22+$0x2040 ss:$0x81] =	vst.msk $0xffff, v4;
	s29 =	sand.u32 s29, s12;
	s30 =	smulhi.u32 $0x147AE15, s24;
	s26 =	simm.s32 @!p1 $0xC7  }
0x16: {  	v5 =	vld [tilespmem:s21+$0xFFFFFFD0];
	[tilespmem:s22+$0x2850 ss:$0x81] =	vst.msk $0xffff, v3;
	p1 =	sgt.s32 s12, $0x380;
	s25 =	ssub.s32 s25, s28;
	s26 =	ssub.s32 s26, s27  }
0x17: {  	v58 =	vld [tilespmem:s21+$0xFFFFFFE0];
	[tilespmem:s22+$0x3060 ss:$0x81] =	vst.msk $0xffff, v2;
	s27 =	smov.u32 s12;
	s28 =	sadd.s32 $0xFFFFFF54, s25;
	s25 =	ssub.s32 $0x12C, s25  }
0x18: {  	v59 =	vld [tilespmem:s21+$0xFFFFFFF0];
	[tilespmem:s22+$0x0 ss:$0x81] =	vst.msk $0xffff, v1;
	s27 =	simm.s32 @!p1 $0x380;
	s31 =	sadd.s32 $0xFFFFFF39, s26;
	s22 =	ssub.s32 $0xC8, s26  }
0x19: {  	v60 =	vld [tilespmem:s21+$0x0];
	s27 =	ssub.s32 s27, s29;
	p1 =	sgt.s32 s31, $0x0;
	s29 =	smul.u32 $0xC8, s30  }
0x1a: {  	v61 =	vld [tilespmem:s21+$0x10];
	[tilespmem:s23+$0x3870 ss:$0x81] =	vst.msk $0xffff, v0;
	s30 =	sshll.u32 s11, $0x7;
	s31 =	sadd.s32 $0xFFFFFC80, s27;
	s26 =	ssub.s32 $0x400, s27  }
0x1b: {  	v62 =	vld [tilespmem:s21+$0x20];
	[tilespmem:s23+$0x810 ss:$0x81] =	vst.msk $0xffff, v5;
	s22 =	simm.s32 @p1 $0x0;
	p1 =	sgt.s32 s28, $0x7F;
	p2 =	sgt.s32 s31, $0x7F  }
0x1c: {  	v63 =	vld [tilespmem:s21+$0xFFFFFFC0];
	[tilespmem:s23+$0x1020 ss:$0x81] =	vst.msk $0xffff, v58;
	s27 =	sand.u32 $0x78, s12;
	s31 =	smul.u32 $0x6400, s10;
	s26 =	simm.s32 @p2 $0x0  }
0x1d: {  	[tilespmem:s23+$0x1830 ss:$0x81] =	vst.msk $0xffff, v59;
	s21 =	sand.u32 $0x380, s30;
	s25 =	simm.s32 @p1 $0x0;
	s22 =	smul.u32 s26, s22  }
0x1e: {  	[tilespmem:s23+$0x2040 ss:$0x81] =	vst.msk $0xffff, v60;
	s21 =	sor.u32 s27, s21;
	s24 =	ssub.s32 s24, s29;
	s29 =	sand.u32 $0x7, s12  }
0x1f: {  	[tilespmem:s23+$0x2850 ss:$0x81] =	vst.msk $0xffff, v61;
	s21 =	sshrl.u32 s21, $0x3;
	s28 =	sadd.s32 s2, s31;
	s22 =	smul.u32 s25, s22  }
0x20: {  	[tilespmem:s23+$0x3060 ss:$0x81] =	vst.msk $0xffff, v62;
	s24 =	sshll.u32 s24, $0x7;
	s30 =	sshll.u32 s29, $0x12;
	s21 =	sadd.s32 s21, s28  }
0x21: {  	[tilespmem:s23+$0x0 ss:$0x81] =	vst.msk $0xffff, v63;
	s31 =	sor.u32 $0x80, s30;
	s21 =	sadd.s32 s24, s21;
	s22 =	sand.u32 $0x3FFFFFFF, s22  }
0x22: {  	[hbm4b:s21+s31] =	stream.strided.scatter [tilespmem:s20], [sflag:$0x2], s22, s9, s31, $0x20;
	[tilespmem:$0x10100] =	vst v63  }
.LBB1_5:
0x23: {  	p1 =	slt.u32 s16, $0x2;
	s21 =	smov.u32 s19  }
0x24: {  	p2 =	sgt.s32 @!p1 s17, $0xAC;
	s20 =	sshra.s32 @!p1 s17, $0x1F;
	p3 =	sgt.s32 @!p1 s19, $0xC7  }
0x25: {  	s22 =	sshra.s32 @!p1 s19, $0x1F;
	p2 =	por !p2, p1;
	s20 =	sand.u32 @!p1 s20, s17  }
0x26: {  	p3 =	por !p3, p1;
	s19 =	sand.u32 @!p1 s22, s19;
	s22 =	sshra.s32 @!p1 s18, $0x1F  }
0x27: {  	s21 =	simm.s32 @p3 $0xC7;
	p3 =	sgt.s32 @!p1 s18, $0x380;
	s17 =	simm.s32 @p2 $0xAC  }
0x28: {  	s19 =	ssub.s32 @!p1 s21, s19;
	p3 =	por !p3, p1;
	s21 =	smov.u32 s18  }
0x29: {  	s18 =	sand.u32 @!p1 s22, s18;
	s17 =	ssub.s32 @!p1 s17, s20;
	s21 =	simm.s32 @p3 $0x380  }
0x2a: {  	s20 =	sadd.s32 @!p1 $0xFFFFFF39, s19;
	s19 =	ssub.s32 @!p1 $0xC8, s19;
	s18 =	ssub.s32 @!p1 s21, s18  }
0x2b: {  	s21 =	sadd.s32 @!p1 $0xFFFFFF54, s17;
	p2 =	sgt.s32 @!p1 s20, $0x0;
	s20 =	sadd.s32 @!p1 $0xFFFFFC80, s18  }
0x2c: {  	s17 =	ssub.s32 @!p1 $0x12C, s17;
	p2 =	por !p2, p1;
	p3 =	sgt.s32 @!p1 s20, $0x7F  }
0x2d: {  	s18 =	ssub.s32 @!p1 $0x400, s18;
	s19 =	simm.s32 @!p2 $0x0;
	p2 =	por !p3, p1  }
0x2e: {  	s20 =	sadd.s32 $0x80, s13;
	p3 =	sgt.s32 @!p1 s21, $0x7F;
	s18 =	simm.s32 @!p2 $0x0  }
0x2f: {  	s21 =	smov.u32 s14;
	p2 =	por !p3, p1;
	s18 =	smul.u32 @!p1 s18, s19  }
0x30: {  	s17 =	simm.s32 @!p2 $0x0;
	p2 =	sgt.s32 s20, $0x12B;
	s19 =	sadd.s32 $0x4, s14  }
0x31: {  	s22 =	smov.u32 s15;
	s21 =	smov.u32 @p2 s19  }
0x32: {  	s17 =	smul.u32 @!p1 s17, s18;
	p3 =	sgt.s32 s21, $0xC7;
	s18 =	sadd.s32 $0x400, s15  }
0x33: {  	p0 =	por !p0, !p0;
	s23 =	simm.s32 @!p1 $0x2;
	s22 =	smov.u32 @p3 s18  }
0x34: {  	s20 =	simm.s32 @p2 $0x0;
	s19 =	smov.u32 s11;
	p2 =	sgt.s32 s22, $0x3FF  }
0x35: {  	s11 =	smov.u32 s14;
	s22 =	smov.u32 @p2 s3;
	p2 =	sne.s32 s16, s8  }
.Ltmp1:
0x36: {  	s21 =	smov.u32 @p3 s7;
	s18 =	smov.u32 s12;
	(pc) =	sbr.rel @!p2 .LBB1_6-.Ltmp1, $4  }
0x37: {  	s12 =	smov.u32 s15;
	s17 =	sand.u32 @!p1 $0x3FFFFFFF, s17;
	s14 =	smov.u32 s21  }
0x38: {  	_ =	swait.ge @!p1 [sflag:s23], s17;
	s24 =	ssub.s32 @!p1 $0x0, s17;
	s17 =	smov.u32 s10  }
0x39: {  	s16 =	sadd.s32 $0x1, s16;
	s10 =	smov.u32 s13;
	[sflag:s23] =	ssyncset.done @!p1 $0x0  }
0x3a: {  	s13 =	smov.u32 s20;
	s15 =	smov.u32 s22;
	[sflag:s23] =	ssyncadd.s32 @!p1 s24  }
.LBB1_1:
0x3b: {  	p1 =	sge.u32 s16, s6  }
0x3c: {  	s20 =	sshrl.u32 @!p1 s14, $0x3  }
0x3d: {  	s21 =	sshll.u32 @!p1 s13, $0x3;
	s20 =	smul.u32 @!p1 $0xC00, s20  }
0x3e: {  	s22 =	sshll.u32 @!p1 s14, $0x7;
	s21 =	sand.u32 @!p1 $0xFFFFFC00, s21  }
0x3f: {  	s20 =	sadd.s32 @!p1 s20, s21;
	s21 =	sand.u32 @!p1 $0x380, s22  }
0x40: {  	s20 =	sor.u32 @!p1 s21, s20  }
0x41: {  	s21 =	sand.u32 @!p1 $0x7F, s13;
	s22 =	smulhi.u32 @!p1 $0xAAAAAAAB, s20  }
0x42: {  	s20 =	sor.u32 @!p1 s21, s20  }
0x43: {  	s21 =	smulhi.u32 @!p1 $0xAAAAAAAB, s20;
	s22 =	sshrl.u32 @!p1 s22, $0x8  }
0x44: {  	s23 =	smulhi.u32 @!p1 $0x147AE15, s22;
	_ =	sdelay $0x1  }
0x45: {  	s21 =	sshrl.u32 @!p1 s21, $0x8;
	s23 =	smul.u32 @!p1 $0xC8, s23  }
0x46: {  	s31 =	sadd.s32 $0xFFFFFFFF, s16;
	s21 =	smul.u32 @!p1 $0x180, s21  }
0x47: {  	s24 =	sxor.u32 @!p1 $0xFFFFFFFF, s16;
	s22 =	ssub.s32 @!p1 s22, s23;
	s23 =	smul.u32 @!p1 $0x2580, s15  }
0x48: {  	s24 =	sshll.u32 @!p1 s24, $0xE;
	s20 =	ssub.s32 @!p1 s20, s21;
	s21 =	smul.u32 @!p1 $0x30, s22  }
0x49: {  	s22 =	sand.u32 @!p1 $0x4000, s24;
	s24 =	sand.u32 @!p1 $0x7, s20;
	s23 =	sadd.s32 @!p1 s4, s23  }
0x4a: {  	s20 =	sshrl.u32 @!p1 s20, $0x3;
	s21 =	sadd.s32 @!p1 s21, s23;
	s23 =	sshll.u32 @!p1 s24, $0x12  }
0x4b: {  	s20 =	sadd.s32 @!p1 s20, s21;
	s21 =	sor.u32 @!p1 $0x80, s23;
	s23 =	simm.s32 @!p1 $0x12C00  }
0x4c: {  	[tilespmem:s22], [sflag:$0x1] =	stream.strided.gather @!p1 [hbm4b:s20+s21], $0x4000, s23, s21, $0x38;
	[tilespmem:$0x10100] =	vst v63  }
0x4d: {  	p1 =	sge.u32 s31, s6  }
.Ltmp2:
0x4e: {  	_ = 	snop;
	(pc) =	sbr.rel @p1 .LBB1_5-.Ltmp2, $1  }
0x4f: {  	_ =	sdelay $0x3  }
0x50: {  	s20 =	simm.s32 $0x1  }
0x51: {  	_ =	swait.ge [sflag:s5], $0x4000;
	s20 =	simm.s32 @!p0 $0x0  }
0x52: {  	[sflag:s5] =	ssyncset.done $0x0;
	s21 =	sshll.u32 s20, $0xE  }
0x53: {  	[sflag:s5] =	ssyncadd.s32 $0xFFFFC000;
	s21 =	sor.u32 $0x40, s21  }
0x54: {  	s20 =	smul.u32 $0x10200, s20;
	v0 =	vld [tilespmem:s21+$0x30]  }
0x55: {  	v1 =	vld [tilespmem:s21+$0xFFFFFFD0]  }
0x56: {  	s20 =	sshrl.u32 s20, $0x2;
	v5 =	vld [tilespmem:s21+$0xFFFFFFE0]  }
0x57: {  	v6 =	vld [tilespmem:s21+$0xFFFFFFF0];
	s23 =	sor.u32 $0x8000, s20  }
0x58: {  	s31 =	sand.u32 $0x1, s16;
	v4 =	vld [tilespmem:s21+$0x0];
	s22 =	sadd.s32 $0x0, s23  }
0x59: {  	v3 =	vld [tilespmem:s21+$0x10];
	s20 =	smul.u32 $0x10200, s31;
	[tilespmem:s22+$0x3870 ss:$0x81] =	vst.msk $0xffff, v0  }
0x5a: {  	v2 =	vld [tilespmem:s21+$0x20];
	[tilespmem:s22+$0x810 ss:$0x81] =	vst.msk $0xffff, v1  }
0x5b: {  	s20 =	sshrl.u32 s20, $0x2;
	v1 =	vld [tilespmem:s21+$0xFFFFFFC0];
	[tilespmem:s22+$0x1020 ss:$0x81] =	vst.msk $0xffff, v5;
	s21 =	sadd.s32 $0x80, s21  }
0x5c: {  	s24 =	simm.s32 $0x4;
	s25 =	simm.s32 $0x8;
	s20 =	sor.u32 $0x8000, s20;
	[tilespmem:s22+$0x1830 ss:$0x81] =	vst.msk $0xffff, v6;
	v0 =	vld [tilespmem:s21+$0x30]  }
.LBB1_3:
0x5d: {  	p1 =	sne.s32 s25, $0x1FC;
	v5 =	vld [tilespmem:s21+$0xFFFFFFD0];
	[tilespmem:s22+$0x2040 ss:$0x81] =	vst.msk $0xffff, v4  }
0x5e: {  	v6 =	vld [tilespmem:s21+$0xFFFFFFE0];
	[tilespmem:s22+$0x2850 ss:$0x81] =	vst.msk $0xffff, v3  }
0x5f: {  	s26 =	sshra.s32 s24, $0x2;
	s24 =	smov.u32 s25;
	v7 =	vld [tilespmem:s21+$0xFFFFFFF0];
	[tilespmem:s22+$0x3060 ss:$0x81] =	vst.msk $0xffff, v2  }
.Ltmp3:
0x60: {  	v4 =	vld [tilespmem:s21+$0x0];
	[tilespmem:s22+$0x0 ss:$0x81] =	vst.msk $0xffff, v1;
	s22 =	sadd.s32 s26, s23;
	(pc) =	sbr.rel @p1 .LBB1_3-.Ltmp3, $4  }
0x61: {  	v3 =	vld [tilespmem:s21+$0x10];
	[tilespmem:s22+$0x3870 ss:$0x81] =	vst.msk $0xffff, v0  }
0x62: {  	[tilespmem:s22+$0x810 ss:$0x81] =	vst.msk $0xffff, v5;
	v2 =	vld [tilespmem:s21+$0x20]  }
0x63: {  	v1 =	vld [tilespmem:s21+$0xFFFFFFC0];
	[tilespmem:s22+$0x1020 ss:$0x81] =	vst.msk $0xffff, v6;
	s21 =	sadd.s32 $0x80, s21  }
0x64: {  	s25 =	sadd.s32 $0x4, s25;
	v0 =	vld [tilespmem:s21+$0x30];
	[tilespmem:s22+$0x1830 ss:$0x81] =	vst.msk $0xffff, v7  }
.Ltmp4:
0x65: {  	_ = 	snop;
	(pc) =	sbr.rel .LBB1_4-.Ltmp4, $1  }
0x66: {  	_ =	sdelay $0x3  }
.LBB1_6:
0x67: {  	_ =	sfence.sel $0x180000  }
0x68: {  	s2 =	simm.s32 $0x1;
	[bflag:$0x0] =	sbarrier.arrive $0xFFFF  }
0x69: {  	s31 =	simm.s32 $0x2;
	[sflag:s2] =	ssyncpa.u1 $0x1  }
0x6a: {  	[sflag:s31] =	ssyncpa.u1 $0x1  }
0x6b: {  	p0 =	sne.s32 s0, $0x0;
	_ =	strace $0x9000004A  }
0x6c: {  	s0 =	sadd.s32 @!p0 $0x100000, s1;
	[bflag:$0x2] =	sbarrier.arrive $0xFFFF  }
0x6d: {  	[sflag:s0] =	ssyncadd.tile.s32 @!p0 $0x1;
	_ =	shalt  }
.Lfunc_end1:
_tile_overlayer_lowered:
.L_overlay_start_2:
0x6e: {  	(tag) =	ssettag $0x2  }
0x6f: {  	s0 =	rddreg [dreg:$0x0];
	s2 =	stileid.u32  }
0x70: {  	s1 =	rddreg [dreg:$0x1];
	p0 =	sne.s32 s2, $0x0  }
0x71: {  	s3 =	rddreg [dreg:$0x2];
	[bflag:$0x3] =	sbarrier.arrive $0xFFFF;
	s2 =	simm.s32 @!p0 $0x1C01  }
0x72: {  	[timem:s3], [sflag:s2] =	dma.local @!p0 [hbm:s0], s1  }
0x73: {  	s0 =	simm.s32 @!p0 $0x1  }
0x74: {  	_ =	swait.ge @!p0 [sflag:s0], s1  }
0x75: {  	s1 =	ssub.s32 @!p0 $0x0, s1;
	[sflag:s0] =	ssyncset.done @!p0 $0x0  }
0x76: {  	[sflag:s0] =	ssyncadd.s32 @!p0 s1  }
0x77: {  	[bflag:$0x3] =	sbarrier.arrive $0xFFFF  }
0x78: {  	_ =	shalt  }

</sc_bundles>
